<compile_context>
chip_gen: v7x
topology: tpu7x:2x2x1
jax: 0.10.2.dev20260603
libtpu: 0.0.44.dev20260713+nightly
codegen_flags: <defaults>
</compile_context>

<pallas_src>
import jax
import jax.numpy as jnp
from jax import lax
from jax.experimental import pallas as pl
from jax.experimental.pallas import tpu as pltpu
from jax.experimental.pallas import tpu_sc as plsc

N = 10000
E = 320000
D = 128
H = 128
C = 64

NC = 2
NS = 16
NPAD = 10240
CHUNK = 40
NBUF = 4
EPAD = 327680
EPC = EPAD // NC
EPT = EPC // NS
NCHUNK = EPT // CHUNK
CPC = EPC // CHUNK
RPT = NPAD // NS
DEGW = 8

f32 = jnp.float32


def _make_agg(with_deg: bool):
  mesh = plsc.VectorSubcoreMesh(
      core_axis_name="c", subcore_axis_name="s",
      num_cores=NC, num_subcores=NS)

  out_type = [jax.ShapeDtypeStruct((NC * NPAD, D), f32)]
  if with_deg:
    out_type.append(jax.ShapeDtypeStruct((NC * NPAD, DEGW), f32))

  scratch = [
      pltpu.VMEM((NCHUNK, CHUNK), jnp.int32),
      pltpu.VMEM((NCHUNK, CHUNK), jnp.int32),
  ]
  scratch += [pltpu.VMEM((CHUNK, D), f32) for _ in range(NBUF)]
  scratch += [pltpu.VMEM_SHARED((NPAD, D), f32)]
  scratch += [pltpu.SemaphoreType.DMA for _ in range(NBUF)]
  scratch += [pltpu.SemaphoreType.DMA for _ in range(NBUF)]
  if with_deg:
    scratch += [
        pltpu.VMEM((CHUNK, DEGW), f32),
        pltpu.VMEM_SHARED((NPAD, DEGW), f32),
    ]
    scratch += [pltpu.SemaphoreType.DMA for _ in range(NBUF)]

  def body(*refs):
    if with_deg:
      feat, src2d, dst2d, zacc, zdacc, odeg, out_acc, out_deg = refs[:8]
      rest = refs[8:]
    else:
      feat, src2d, dst2d, zacc, out_acc = refs[:5]
      rest = refs[5:]
    sidx, didx = rest[0], rest[1]
    rows = list(rest[2:2 + NBUF])
    acc = rest[2 + NBUF]
    sg = list(rest[3 + NBUF:3 + 2 * NBUF])
    ss = list(rest[3 + 2 * NBUF:3 + 3 * NBUF])
    if with_deg:
      ones = rest[3 + 3 * NBUF]
      dacc = rest[4 + 3 * NBUF]
      sd = list(rest[5 + 3 * NBUF:5 + 4 * NBUF])

    c = lax.axis_index("c")
    s = lax.axis_index("s")
    rbase = s * RPT

    cb = c * CPC + s * NCHUNK
    init = [
        pltpu.async_copy(src2d.at[pl.ds(cb, NCHUNK)], sidx, sg[0]),
        pltpu.async_copy(dst2d.at[pl.ds(cb, NCHUNK)], didx, sg[1]),
        pltpu.async_copy(zacc, acc.at[pl.ds(rbase, RPT)], ss[0]),
    ]
    if with_deg:
      init.append(pltpu.async_copy(zdacc, dacc.at[pl.ds(rbase, RPT)], ss[1]))
      init.append(pltpu.async_copy(odeg, ones, sd[0]))
    for cp in init:
      cp.wait()
    plsc.subcore_barrier()

    def gather(j, b):
      return pltpu.async_copy(feat.at[sidx.at[j]], rows[b], sg[b])

    def gather_wait(j, b):
      pltpu.make_async_copy(feat.at[sidx.at[j]], rows[b], sg[b]).wait()

    def scatter(j, b):
      pltpu.async_copy(rows[b], acc.at[didx.at[j]], ss[b], add=True)
      if with_deg:
        pltpu.async_copy(ones, dacc.at[didx.at[j]], sd[b], add=True)

    def scatter_wait(j, b):
      pltpu.make_async_copy(rows[b], acc.at[didx.at[j]], ss[b]).wait()
      if with_deg:
        pltpu.make_async_copy(ones, dacc.at[didx.at[j]], sd[b]).wait()

    for b in range(NBUF):
      gather(b, b)

    def group(g, carry):
      j0 = g * NBUF
      for b in range(NBUF):
        gather_wait(j0 + b, b)
        scatter(j0 + b, b)
      for b in range(NBUF):
        scatter_wait(j0 + b, b)
        gather(j0 + NBUF + b, b)
      return carry

    lax.fori_loop(0, NCHUNK // NBUF - 1, group, 0)

    j0 = NCHUNK - NBUF
    for b in range(NBUF):
      gather_wait(j0 + b, b)
      scatter(j0 + b, b)
    for b in range(NBUF):
      scatter_wait(j0 + b, b)
    plsc.subcore_barrier()

    fin = [pltpu.async_copy(acc.at[pl.ds(rbase, RPT)],
                            out_acc.at[pl.ds(c * NPAD + rbase, RPT)], sg[0])]
    if with_deg:
      fin.append(pltpu.async_copy(dacc.at[pl.ds(rbase, RPT)],
                                  out_deg.at[pl.ds(c * NPAD + rbase, RPT)],
                                  sg[1]))
    for cp in fin:
      cp.wait()

  return pl.kernel(
      body, out_type=out_type, mesh=mesh, scratch_types=scratch,
      compiler_params=pltpu.CompilerParams(use_tc_tiling_on_sc=False))


_agg_deg = _make_agg(with_deg=True)
_agg = _make_agg(with_deg=False)


ROWS = 5000


def _l1_body(x, a0, a1, d0, d1, ws, wn, b, o):
  deg = d0[...][:, 0:1] + d1[...][:, 0:1]
  inv = 1.0 / jnp.maximum(deg, 1.0)
  hn = (a0[...] + a1[...]) * inv
  s0 = jnp.dot(x[...], ws[...], preferred_element_type=f32)
  o[...] = jnp.maximum(
      s0 + jnp.dot(hn, wn[...], preferred_element_type=f32) + b[...], 0.0)


def _l2_body(h1, a0, a1, d0, d1, ws, wn, b, wfc, bfc, o):
  deg = d0[...][:, 0:1] + d1[...][:, 0:1]
  inv = 1.0 / jnp.maximum(deg, 1.0)
  hn = (a0[...] + a1[...]) * inv
  h2 = jnp.maximum(
      jnp.dot(h1[...], ws[...], preferred_element_type=f32)
      + jnp.dot(hn, wn[...], preferred_element_type=f32) + b[...], 0.0)
  o[...] = jnp.dot(h2, wfc[...], preferred_element_type=f32) + bfc[...]


def _row_spec(w):
  return pl.BlockSpec((ROWS, w), lambda i: (i, 0))


def _full_spec(shape):
  return pl.BlockSpec(shape, lambda i: tuple(0 for _ in shape))


def _tc_layer1(x, a0, a1, d0, d1, ws, wn, b):
  return pl.pallas_call(
      _l1_body,
      grid=(N // ROWS,),
      in_specs=[
          _row_spec(D), _row_spec(D), _row_spec(D),
          _row_spec(DEGW), _row_spec(DEGW),
          _full_spec((D, H)), _full_spec((D, H)), _full_spec((1, H)),
      ],
      out_specs=_row_spec(H),
      out_shape=jax.ShapeDtypeStruct((N, H), f32),
  )(x, a0, a1, d0, d1, ws, wn, b)


def _tc_layer2(h1, a0, a1, d0, d1, ws, wn, b, wfc, bfc):
  return pl.pallas_call(
      _l2_body,
      grid=(N // ROWS,),
      in_specs=[
          _row_spec(H), _row_spec(H), _row_spec(H),
          _row_spec(DEGW), _row_spec(DEGW),
          _full_spec((H, H)), _full_spec((H, H)), _full_spec((1, H)),
          _full_spec((H, C)), _full_spec((1, C)),
      ],
      out_specs=_row_spec(C),
      out_shape=jax.ShapeDtypeStruct((N, C), f32),
  )(h1, a0, a1, d0, d1, ws, wn, b, wfc, bfc)


def kernel(x, edge_index, W_self0, W_neigh0, b0, W_self1, W_neigh1, b1,
           W_fc, b_fc):
  src = edge_index[0]
  dst = edge_index[1]
  pad = EPAD - E
  iota = jnp.arange(pad, dtype=dst.dtype)
  src2d = jnp.concatenate([src, iota % N]).reshape(-1, CHUNK)
  dst2d = jnp.concatenate([dst, N + iota % (NPAD - N)]).reshape(-1, CHUNK)
  zacc = jnp.zeros((RPT, D), f32)
  zdacc = jnp.zeros((RPT, DEGW), f32)
  odeg = jnp.ones((CHUNK, DEGW), f32)

  aggx, deg = _agg_deg(x, src2d, dst2d, zacc, zdacc, odeg)
  h1 = _tc_layer1(x, aggx[:N], aggx[NPAD:NPAD + N], deg[:N],
                  deg[NPAD:NPAD + N], W_self0, W_neigh0, b0.reshape(1, H))
  aggh, = _agg(h1, src2d, dst2d, zacc)
  out = _tc_layer2(h1, aggh[:N], aggh[NPAD:NPAD + N], deg[:N],
                   deg[NPAD:NPAD + N], W_self1, W_neigh1, b1.reshape(1, H),
                   W_fc, b_fc.reshape(1, C))
  return out

# --- scband reference (transcript-rebuilt; emitter-appended) ---
"""Pipeline reference for scband-graph-sage-87892210745360 (READ-ONLY COPY).

The authoritative reference and input builder live on the scoring server;
editing this copy changes nothing except your own understanding.
"""

import jax, jax.numpy as jnp
import numpy as np

N = 10000
E = 320000
D = 128
H = 128
C = 64

def setup_inputs(seed: int = 0):
    key = jax.random.key(seed)
    ks = jax.random.split(key, 10)
    x = jax.random.normal(ks[0], (N, D), dtype=jnp.float32)
    edge_index = jax.random.randint(ks[1], (2, E), 0, N, dtype=jnp.int32)
    W_self0 = jax.random.normal(ks[2], (D, H), dtype=jnp.float32) * 0.05
    W_neigh0 = jax.random.normal(ks[3], (D, H), dtype=jnp.float32) * 0.05
    b0 = jnp.zeros((H,), dtype=jnp.float32)
    W_self1 = jax.random.normal(ks[4], (H, H), dtype=jnp.float32) * 0.05
    W_neigh1 = jax.random.normal(ks[5], (H, H), dtype=jnp.float32) * 0.05
    b1 = jnp.zeros((H,), dtype=jnp.float32)
    W_fc = jax.random.normal(ks[6], (H, C), dtype=jnp.float32) * 0.05
    b_fc = jnp.zeros((C,), dtype=jnp.float32)
    return {"x": x, "edge_index": edge_index, "W_self0": W_self0, "W_neigh0": W_neigh0, "b0": b0, "W_self1": W_self1, "W_neigh1": W_neigh1, "b1": b1, "W_fc": W_fc, "b_fc": b_fc}

def _sage_layer(h, src, dst, Ws, Wn, b):
    # mean aggregator: gather source features, scatter-add by destination, normalize by in-degree
    msg = jnp.take(h, src, axis=0)
    summed = jax.ops.segment_sum(msg, dst, num_segments=N)
    deg = jax.ops.segment_sum(jnp.ones((E,), dtype=h.dtype), dst, num_segments=N)
    h_neigh = summed / jnp.maximum(deg, 1.0)[:, None]
    return h @ Ws + h_neigh @ Wn + b

def reference(x, edge_index, W_self0, W_neigh0, b0, W_self1, W_neigh1, b1, W_fc, b_fc):
    src = edge_index[0]
    dst = edge_index[1]
    h = x  # dropout == False
    h = _sage_layer(h, src, dst, W_self0, W_neigh0, b0)
    h = jax.nn.relu(h)  # activation between layers (l != last)
    h = _sage_layer(h, src, dst, W_self1, W_neigh1, b1)
    h = jax.nn.relu(h)  # activation after final SAGE layer
    h = h @ W_fc + b_fc
    return h

if __name__ == "__main__":
    import jax
    _d = setup_inputs()
    print(jax.jit(kernel)(*tuple(_d.values())))

</pallas_src>

<mosaic_0001>
#map = affine_map<(d0, d1) -> (0, 0)>
module attributes {stable_mosaic.version = 14 : i64} {
  func.func @body(%arg0: i32, %arg1: i32, %arg2: memref<10000x128xf32, #tpu.memory_space<hbm>>, %arg3: memref<8192x40xi32, #tpu.memory_space<hbm>>, %arg4: memref<8192x40xi32, #tpu.memory_space<hbm>>, %arg5: memref<640x128xf32, #tpu.memory_space<hbm>>, %arg6: memref<640x8xf32, #tpu.memory_space<hbm>>, %arg7: memref<40x8xf32, #tpu.memory_space<hbm>>, %arg8: memref<20480x128xf32, #tpu.memory_space<hbm>>, %arg9: memref<20480x8xf32, #tpu.memory_space<hbm>>, %arg10: memref<256x40xi32, #tpu.memory_space<vmem>>, %arg11: memref<256x40xi32, #tpu.memory_space<vmem>>, %arg12: memref<40x128xf32, #tpu.memory_space<vmem>>, %arg13: memref<40x128xf32, #tpu.memory_space<vmem>>, %arg14: memref<40x128xf32, #tpu.memory_space<vmem>>, %arg15: memref<40x128xf32, #tpu.memory_space<vmem>>, %arg16: memref<10240x128xf32, #tpu.memory_space<vmem_shared>>, %arg17: memref<!tpu.dma_semaphore, #tpu.memory_space<semaphore_mem>>, %arg18: memref<!tpu.dma_semaphore, #tpu.memory_space<semaphore_mem>>, %arg19: memref<!tpu.dma_semaphore, #tpu.memory_space<semaphore_mem>>, %arg20: memref<!tpu.dma_semaphore, #tpu.memory_space<semaphore_mem>>, %arg21: memref<!tpu.dma_semaphore, #tpu.memory_space<semaphore_mem>>, %arg22: memref<!tpu.dma_semaphore, #tpu.memory_space<semaphore_mem>>, %arg23: memref<!tpu.dma_semaphore, #tpu.memory_space<semaphore_mem>>, %arg24: memref<!tpu.dma_semaphore, #tpu.memory_space<semaphore_mem>>, %arg25: memref<40x8xf32, #tpu.memory_space<vmem>>, %arg26: memref<10240x8xf32, #tpu.memory_space<vmem_shared>>, %arg27: memref<!tpu.dma_semaphore, #tpu.memory_space<semaphore_mem>>, %arg28: memref<!tpu.dma_semaphore, #tpu.memory_space<semaphore_mem>>, %arg29: memref<!tpu.dma_semaphore, #tpu.memory_space<semaphore_mem>>, %arg30: memref<!tpu.dma_semaphore, #tpu.memory_space<semaphore_mem>>) attributes {dimension_semantics = [#tpu.dimension_semantics<core_parallel>, #tpu.dimension_semantics<subcore_parallel>], iteration_bounds = array<i64: 2, 16>, scalar_prefetch = 0 : i64, scratch_operands = 21 : i64, tpu.core_type = #tpu.core_type<sc_vector_subcore>, window_params = [{transform_indices = #map}, {transform_indices = #map}, {transform_indices = #map}, {transform_indices = #map}, {transform_indices = #map}, {transform_indices = #map}, {transform_indices = #map}, {transform_indices = #map}]} {
    %mul3A = arith.constant 640 : i32
    %mul3A_0 = arith.muli %arg1, %mul3A : i32
    %mul3A_1 = arith.constant 4096 : i32
    %mul3A_2 = arith.muli %arg0, %mul3A_1 : i32
    %mul3A_3 = arith.constant 256 : i32
    %mul3A_4 = arith.muli %arg1, %mul3A_3 : i32
    %add3A = arith.addi %mul3A_2, %mul3A_4 : i32
    %dma_start3A = arith.constant 0 : i32
    %dma_start3A_5 = tpu.memref_slice %arg3[%add3A, %dma_start3A] : memref<8192x40xi32, #tpu.memory_space<hbm>> -> memref<256x40xi32, #tpu.memory_space<hbm>>
    %dma_start3A_6 = arith.constant 0 : i32
    %dma_start3A_7 = tpu.memref_slice %arg3[%add3A, %dma_start3A_6] : memref<8192x40xi32, #tpu.memory_space<hbm>> -> memref<256x40xi32, #tpu.memory_space<hbm>>
    tpu.enqueue_dma source(%dma_start3A_7 : memref<256x40xi32, #tpu.memory_space<hbm>>) target(%arg10 : memref<256x40xi32, #tpu.memory_space<vmem>>) target_semaphore(%arg17 : memref<!tpu.dma_semaphore, #tpu.memory_space<semaphore_mem>>)
    %dma_start3A_8 = arith.constant 0 : i32
    %dma_start3A_9 = tpu.memref_slice %arg4[%add3A, %dma_start3A_8] : memref<8192x40xi32, #tpu.memory_space<hbm>> -> memref<256x40xi32, #tpu.memory_space<hbm>>
    %dma_start3A_10 = arith.constant 0 : i32
    %dma_start3A_11 = tpu.memref_slice %arg4[%add3A, %dma_start3A_10] : memref<8192x40xi32, #tpu.memory_space<hbm>> -> memref<256x40xi32, #tpu.memory_space<hbm>>
    tpu.enqueue_dma source(%dma_start3A_11 : memref<256x40xi32, #tpu.memory_space<hbm>>) target(%arg11 : memref<256x40xi32, #tpu.memory_space<vmem>>) target_semaphore(%arg18 : memref<!tpu.dma_semaphore, #tpu.memory_space<semaphore_mem>>)
    %dma_start3A_12 = arith.constant 0 : i32
    %dma_start3A_13 = tpu.memref_slice %arg16[%mul3A_0, %dma_start3A_12] : memref<10240x128xf32, #tpu.memory_space<vmem_shared>> -> memref<640x128xf32, #tpu.memory_space<vmem_shared>>
    tpu.enqueue_dma source(%arg5 : memref<640x128xf32, #tpu.memory_space<hbm>>) target(%dma_start3A_13 : memref<640x128xf32, #tpu.memory_space<vmem_shared>>) target_semaphore(%arg21 : memref<!tpu.dma_semaphore, #tpu.memory_space<semaphore_mem>>)
    %dma_start3A_14 = arith.constant 0 : i32
    %dma_start3A_15 = tpu.memref_slice %arg26[%mul3A_0, %dma_start3A_14] : memref<10240x8xf32, #tpu.memory_space<vmem_shared>> -> memref<640x8xf32, #tpu.memory_space<vmem_shared>>
    tpu.enqueue_dma source(%arg6 : memref<640x8xf32, #tpu.memory_space<hbm>>) target(%dma_start3A_15 : memref<640x8xf32, #tpu.memory_space<vmem_shared>>) target_semaphore(%arg22 : memref<!tpu.dma_semaphore, #tpu.memory_space<semaphore_mem>>)
    tpu.enqueue_dma source(%arg7 : memref<40x8xf32, #tpu.memory_space<hbm>>) target(%arg25 : memref<40x8xf32, #tpu.memory_space<vmem>>) target_semaphore(%arg27 : memref<!tpu.dma_semaphore, #tpu.memory_space<semaphore_mem>>)
    %dma_wait3A = arith.constant 0 : i32
    %dma_wait3A_16 = tpu.memref_slice %arg3[%add3A, %dma_wait3A] : memref<8192x40xi32, #tpu.memory_space<hbm>> -> memref<256x40xi32, #tpu.memory_space<hbm>>
    %dma_wait3A_17 = arith.constant 0 : i32
    %dma_wait3A_18 = tpu.memref_slice %arg3[%add3A, %dma_wait3A_17] : memref<8192x40xi32, #tpu.memory_space<hbm>> -> memref<256x40xi32, #tpu.memory_space<hbm>>
    tpu.wait_dma2 semaphore(%arg17 : memref<!tpu.dma_semaphore, #tpu.memory_space<semaphore_mem>>) src(%dma_wait3A_18 : memref<256x40xi32, #tpu.memory_space<hbm>>) dst(%arg10 : memref<256x40xi32, #tpu.memory_space<vmem>>)
    %dma_wait3A_19 = arith.constant 0 : i32
    %dma_wait3A_20 = tpu.memref_slice %arg4[%add3A, %dma_wait3A_19] : memref<8192x40xi32, #tpu.memory_space<hbm>> -> memref<256x40xi32, #tpu.memory_space<hbm>>
    %dma_wait3A_21 = arith.constant 0 : i32
    %dma_wait3A_22 = tpu.memref_slice %arg4[%add3A, %dma_wait3A_21] : memref<8192x40xi32, #tpu.memory_space<hbm>> -> memref<256x40xi32, #tpu.memory_space<hbm>>
    tpu.wait_dma2 semaphore(%arg18 : memref<!tpu.dma_semaphore, #tpu.memory_space<semaphore_mem>>) src(%dma_wait3A_22 : memref<256x40xi32, #tpu.memory_space<hbm>>) dst(%arg11 : memref<256x40xi32, #tpu.memory_space<vmem>>)
    %dma_wait3A_23 = arith.constant 0 : i32
    %dma_wait3A_24 = tpu.memref_slice %arg16[%mul3A_0, %dma_wait3A_23] : memref<10240x128xf32, #tpu.memory_space<vmem_shared>> -> memref<640x128xf32, #tpu.memory_space<vmem_shared>>
    tpu.wait_dma2 semaphore(%arg21 : memref<!tpu.dma_semaphore, #tpu.memory_space<semaphore_mem>>) src(%arg5 : memref<640x128xf32, #tpu.memory_space<hbm>>) dst(%dma_wait3A_24 : memref<640x128xf32, #tpu.memory_space<vmem_shared>>)
    %dma_wait3A_25 = arith.constant 0 : i32
    %dma_wait3A_26 = tpu.memref_slice %arg26[%mul3A_0, %dma_wait3A_25] : memref<10240x8xf32, #tpu.memory_space<vmem_shared>> -> memref<640x8xf32, #tpu.memory_space<vmem_shared>>
    tpu.wait_dma2 semaphore(%arg22 : memref<!tpu.dma_semaphore, #tpu.memory_space<semaphore_mem>>) src(%arg6 : memref<640x8xf32, #tpu.memory_space<hbm>>) dst(%dma_wait3A_26 : memref<640x8xf32, #tpu.memory_space<vmem_shared>>)
    tpu.wait_dma2 semaphore(%arg27 : memref<!tpu.dma_semaphore, #tpu.memory_space<semaphore_mem>>) src(%arg7 : memref<40x8xf32, #tpu.memory_space<hbm>>) dst(%arg25 : memref<40x8xf32, #tpu.memory_space<vmem>>)
    %barrier3A = arith.constant 0 : index
    tpu.barrier barrier_id(%barrier3A)
    %dma_start3A_27 = arith.constant 0 : i32
    %dma_start3A_28 = arith.constant 0 : i32
    %dma_start3A_29 = tpu.memref_slice %arg10[%dma_start3A_27, %dma_start3A_28] : memref<256x40xi32, #tpu.memory_space<vmem>> -> memref<1x40xi32, #tpu.memory_space<vmem>>
    %dma_start3A_30 = tpu.memref_squeeze %dma_start3A_29 : memref<1x40xi32, #tpu.memory_space<vmem>> -> memref<40xi32, #tpu.memory_space<vmem>>
    %dma_start3A_31 = arith.constant 0 : i32
    %dma_start3A_32 = arith.constant 0 : i32
    %dma_start3A_33 = tpu.memref_slice %arg2[%dma_start3A_31, %dma_start3A_32] : memref<10000x128xf32, #tpu.memory_space<hbm>> -> memref<10000x128xf32, #tpu.memory_space<hbm>>
    tpu.enqueue_indirect_dma source(%dma_start3A_33 : memref<10000x128xf32, #tpu.memory_space<hbm>>) target(%arg12 : memref<40x128xf32, #tpu.memory_space<vmem>>) offsets(%dma_start3A_30 : memref<40xi32, #tpu.memory_space<vmem>>) semaphore(%arg17 : memref<!tpu.dma_semaphore, #tpu.memory_space<semaphore_mem>>)
    %dma_start3A_34 = arith.constant 1 : i32
    %dma_start3A_35 = arith.constant 0 : i32
    %dma_start3A_36 = tpu.memref_slice %arg10[%dma_start3A_34, %dma_start3A_35] : memref<256x40xi32, #tpu.memory_space<vmem>> -> memref<1x40xi32, #tpu.memory_space<vmem>>
    %dma_start3A_37 = tpu.memref_squeeze %dma_start3A_36 : memref<1x40xi32, #tpu.memory_space<vmem>> -> memref<40xi32, #tpu.memory_space<vmem>>
    %dma_start3A_38 = arith.constant 0 : i32
    %dma_start3A_39 = arith.constant 0 : i32
    %dma_start3A_40 = tpu.memref_slice %arg2[%dma_start3A_38, %dma_start3A_39] : memref<10000x128xf32, #tpu.memory_space<hbm>> -> memref<10000x128xf32, #tpu.memory_space<hbm>>
    tpu.enqueue_indirect_dma source(%dma_start3A_40 : memref<10000x128xf32, #tpu.memory_space<hbm>>) target(%arg13 : memref<40x128xf32, #tpu.memory_space<vmem>>) offsets(%dma_start3A_37 : memref<40xi32, #tpu.memory_space<vmem>>) semaphore(%arg18 : memref<!tpu.dma_semaphore, #tpu.memory_space<semaphore_mem>>)
    %dma_start3A_41 = arith.constant 2 : i32
    %dma_start3A_42 = arith.constant 0 : i32
    %dma_start3A_43 = tpu.memref_slice %arg10[%dma_start3A_41, %dma_start3A_42] : memref<256x40xi32, #tpu.memory_space<vmem>> -> memref<1x40xi32, #tpu.memory_space<vmem>>
    %dma_start3A_44 = tpu.memref_squeeze %dma_start3A_43 : memref<1x40xi32, #tpu.memory_space<vmem>> -> memref<40xi32, #tpu.memory_space<vmem>>
    %dma_start3A_45 = arith.constant 0 : i32
    %dma_start3A_46 = arith.constant 0 : i32
    %dma_start3A_47 = tpu.memref_slice %arg2[%dma_start3A_45, %dma_start3A_46] : memref<10000x128xf32, #tpu.memory_space<hbm>> -> memref<10000x128xf32, #tpu.memory_space<hbm>>
    tpu.enqueue_indirect_dma source(%dma_start3A_47 : memref<10000x128xf32, #tpu.memory_space<hbm>>) target(%arg14 : memref<40x128xf32, #tpu.memory_space<vmem>>) offsets(%dma_start3A_44 : memref<40xi32, #tpu.memory_space<vmem>>) semaphore(%arg19 : memref<!tpu.dma_semaphore, #tpu.memory_space<semaphore_mem>>)
    %dma_start3A_48 = arith.constant 3 : i32
    %dma_start3A_49 = arith.constant 0 : i32
    %dma_start3A_50 = tpu.memref_slice %arg10[%dma_start3A_48, %dma_start3A_49] : memref<256x40xi32, #tpu.memory_space<vmem>> -> memref<1x40xi32, #tpu.memory_space<vmem>>
    %dma_start3A_51 = tpu.memref_squeeze %dma_start3A_50 : memref<1x40xi32, #tpu.memory_space<vmem>> -> memref<40xi32, #tpu.memory_space<vmem>>
    %dma_start3A_52 = arith.constant 0 : i32
    %dma_start3A_53 = arith.constant 0 : i32
    %dma_start3A_54 = tpu.memref_slice %arg2[%dma_start3A_52, %dma_start3A_53] : memref<10000x128xf32, #tpu.memory_space<hbm>> -> memref<10000x128xf32, #tpu.memory_space<hbm>>
    tpu.enqueue_indirect_dma source(%dma_start3A_54 : memref<10000x128xf32, #tpu.memory_space<hbm>>) target(%arg15 : memref<40x128xf32, #tpu.memory_space<vmem>>) offsets(%dma_start3A_51 : memref<40xi32, #tpu.memory_space<vmem>>) semaphore(%arg20 : memref<!tpu.dma_semaphore, #tpu.memory_space<semaphore_mem>>)
    %scan3A = arith.constant 0 : i32
    %scan3A_55 = arith.constant 0 : i32
    %scan3A_56 = arith.constant 63 : i32
    %scan3A_57 = arith.addi %scan3A_55, %scan3A_56 : i32
    %scan3A_58 = arith.constant 1 : i32
    scf.for %scan3A_223 = %scan3A_55 to %scan3A_57 step %scan3A_58  : i32 {
      %mul3A_224 = arith.constant 4 : i32
      %mul3A_225 = arith.muli %scan3A_223, %mul3A_224 : i32
      %add3A_226 = arith.constant 0 : i32
      %add3A_227 = arith.addi %mul3A_225, %add3A_226 : i32
      %dma_wait3A_228 = arith.constant 0 : i32
      %dma_wait3A_229 = tpu.memref_slice %arg10[%add3A_227, %dma_wait3A_228] : memref<256x40xi32, #tpu.memory_space<vmem>> -> memref<1x40xi32, #tpu.memory_space<vmem>>
      %dma_wait3A_230 = tpu.memref_squeeze %dma_wait3A_229 : memref<1x40xi32, #tpu.memory_space<vmem>> -> memref<40xi32, #tpu.memory_space<vmem>>
      %dma_wait3A_231 = arith.constant 0 : i32
      %dma_wait3A_232 = arith.constant 0 : i32
      %dma_wait3A_233 = tpu.memref_slice %arg2[%dma_wait3A_231, %dma_wait3A_232] : memref<10000x128xf32, #tpu.memory_space<hbm>> -> memref<10000x128xf32, #tpu.memory_space<hbm>>
      tpu.wait_indirect_dma semaphore(%arg17 : memref<!tpu.dma_semaphore, #tpu.memory_space<semaphore_mem>>) src(%dma_wait3A_233 : memref<10000x128xf32, #tpu.memory_space<hbm>>) dst(%arg12 : memref<40x128xf32, #tpu.memory_space<vmem>>)
      %add3A_234 = arith.constant 0 : i32
      %add3A_235 = arith.addi %mul3A_225, %add3A_234 : i32
      %dma_start3A_236 = arith.constant 0 : i32
      %dma_start3A_237 = tpu.memref_slice %arg11[%add3A_235, %dma_start3A_236] : memref<256x40xi32, #tpu.memory_space<vmem>> -> memref<1x40xi32, #tpu.memory_space<vmem>>
      %dma_start3A_238 = tpu.memref_squeeze %dma_start3A_237 : memref<1x40xi32, #tpu.memory_space<vmem>> -> memref<40xi32, #tpu.memory_space<vmem>>
      %dma_start3A_239 = arith.constant 0 : i32
      %dma_start3A_240 = arith.constant 0 : i32
      %dma_start3A_241 = tpu.memref_slice %arg16[%dma_start3A_239, %dma_start3A_240] : memref<10240x128xf32, #tpu.memory_space<vmem_shared>> -> memref<10240x128xf32, #tpu.memory_space<vmem_shared>>
      tpu.enqueue_indirect_dma source(%arg12 : memref<40x128xf32, #tpu.memory_space<vmem>>) target(%dma_start3A_241 : memref<10240x128xf32, #tpu.memory_space<vmem_shared>>) offsets(%dma_start3A_238 : memref<40xi32, #tpu.memory_space<vmem>>) semaphore(%arg21 : memref<!tpu.dma_semaphore, #tpu.memory_space<semaphore_mem>>) {add = true}
      %dma_start3A_242 = arith.constant 0 : i32
      %dma_start3A_243 = tpu.memref_slice %arg11[%add3A_235, %dma_start3A_242] : memref<256x40xi32, #tpu.memory_space<vmem>> -> memref<1x40xi32, #tpu.memory_space<vmem>>
      %dma_start3A_244 = tpu.memref_squeeze %dma_start3A_243 : memref<1x40xi32, #tpu.memory_space<vmem>> -> memref<40xi32, #tpu.memory_space<vmem>>
      %dma_start3A_245 = arith.constant 0 : i32
      %dma_start3A_246 = arith.constant 0 : i32
      %dma_start3A_247 = tpu.memref_slice %arg26[%dma_start3A_245, %dma_start3A_246] : memref<10240x8xf32, #tpu.memory_space<vmem_shared>> -> memref<10240x8xf32, #tpu.memory_space<vmem_shared>>
      tpu.enqueue_indirect_dma source(%arg25 : memref<40x8xf32, #tpu.memory_space<vmem>>) target(%dma_start3A_247 : memref<10240x8xf32, #tpu.memory_space<vmem_shared>>) offsets(%dma_start3A_244 : memref<40xi32, #tpu.memory_space<vmem>>) semaphore(%arg27 : memref<!tpu.dma_semaphore, #tpu.memory_space<semaphore_mem>>) {add = true}
      %add3A_248 = arith.constant 1 : i32
      %add3A_249 = arith.addi %mul3A_225, %add3A_248 : i32
      %dma_wait3A_250 = arith.constant 0 : i32
      %dma_wait3A_251 = tpu.memref_slice %arg10[%add3A_249, %dma_wait3A_250] : memref<256x40xi32, #tpu.memory_space<vmem>> -> memref<1x40xi32, #tpu.memory_space<vmem>>
      %dma_wait3A_252 = tpu.memref_squeeze %dma_wait3A_251 : memref<1x40xi32, #tpu.memory_space<vmem>> -> memref<40xi32, #tpu.memory_space<vmem>>
      %dma_wait3A_253 = arith.constant 0 : i32
      %dma_wait3A_254 = arith.constant 0 : i32
      %dma_wait3A_255 = tpu.memref_slice %arg2[%dma_wait3A_253, %dma_wait3A_254] : memref<10000x128xf32, #tpu.memory_space<hbm>> -> memref<10000x128xf32, #tpu.memory_space<hbm>>
      tpu.wait_indirect_dma semaphore(%arg18 : memref<!tpu.dma_semaphore, #tpu.memory_space<semaphore_mem>>) src(%dma_wait3A_255 : memref<10000x128xf32, #tpu.memory_space<hbm>>) dst(%arg13 : memref<40x128xf32, #tpu.memory_space<vmem>>)
      %add3A_256 = arith.constant 1 : i32
      %add3A_257 = arith.addi %mul3A_225, %add3A_256 : i32
      %dma_start3A_258 = arith.constant 0 : i32
      %dma_start3A_259 = tpu.memref_slice %arg11[%add3A_257, %dma_start3A_258] : memref<256x40xi32, #tpu.memory_space<vmem>> -> memref<1x40xi32, #tpu.memory_space<vmem>>
      %dma_start3A_260 = tpu.memref_squeeze %dma_start3A_259 : memref<1x40xi32, #tpu.memory_space<vmem>> -> memref<40xi32, #tpu.memory_space<vmem>>
      %dma_start3A_261 = arith.constant 0 : i32
      %dma_start3A_262 = arith.constant 0 : i32
      %dma_start3A_263 = tpu.memref_slice %arg16[%dma_start3A_261, %dma_start3A_262] : memref<10240x128xf32, #tpu.memory_space<vmem_shared>> -> memref<10240x128xf32, #tpu.memory_space<vmem_shared>>
      tpu.enqueue_indirect_dma source(%arg13 : memref<40x128xf32, #tpu.memory_space<vmem>>) target(%dma_start3A_263 : memref<10240x128xf32, #tpu.memory_space<vmem_shared>>) offsets(%dma_start3A_260 : memref<40xi32, #tpu.memory_space<vmem>>) semaphore(%arg22 : memref<!tpu.dma_semaphore, #tpu.memory_space<semaphore_mem>>) {add = true}
      %dma_start3A_264 = arith.constant 0 : i32
      %dma_start3A_265 = tpu.memref_slice %arg11[%add3A_257, %dma_start3A_264] : memref<256x40xi32, #tpu.memory_space<vmem>> -> memref<1x40xi32, #tpu.memory_space<vmem>>
      %dma_start3A_266 = tpu.memref_squeeze %dma_start3A_265 : memref<1x40xi32, #tpu.memory_space<vmem>> -> memref<40xi32, #tpu.memory_space<vmem>>
      %dma_start3A_267 = arith.constant 0 : i32
      %dma_start3A_268 = arith.constant 0 : i32
      %dma_start3A_269 = tpu.memref_slice %arg26[%dma_start3A_267, %dma_start3A_268] : memref<10240x8xf32, #tpu.memory_space<vmem_shared>> -> memref<10240x8xf32, #tpu.memory_space<vmem_shared>>
      tpu.enqueue_indirect_dma source(%arg25 : memref<40x8xf32, #tpu.memory_space<vmem>>) target(%dma_start3A_269 : memref<10240x8xf32, #tpu.memory_space<vmem_shared>>) offsets(%dma_start3A_266 : memref<40xi32, #tpu.memory_space<vmem>>) semaphore(%arg28 : memref<!tpu.dma_semaphore, #tpu.memory_space<semaphore_mem>>) {add = true}
      %add3A_270 = arith.constant 2 : i32
      %add3A_271 = arith.addi %mul3A_225, %add3A_270 : i32
      %dma_wait3A_272 = arith.constant 0 : i32
      %dma_wait3A_273 = tpu.memref_slice %arg10[%add3A_271, %dma_wait3A_272] : memref<256x40xi32, #tpu.memory_space<vmem>> -> memref<1x40xi32, #tpu.memory_space<vmem>>
      %dma_wait3A_274 = tpu.memref_squeeze %dma_wait3A_273 : memref<1x40xi32, #tpu.memory_space<vmem>> -> memref<40xi32, #tpu.memory_space<vmem>>
      %dma_wait3A_275 = arith.constant 0 : i32
      %dma_wait3A_276 = arith.constant 0 : i32
      %dma_wait3A_277 = tpu.memref_slice %arg2[%dma_wait3A_275, %dma_wait3A_276] : memref<10000x128xf32, #tpu.memory_space<hbm>> -> memref<10000x128xf32, #tpu.memory_space<hbm>>
      tpu.wait_indirect_dma semaphore(%arg19 : memref<!tpu.dma_semaphore, #tpu.memory_space<semaphore_mem>>) src(%dma_wait3A_277 : memref<10000x128xf32, #tpu.memory_space<hbm>>) dst(%arg14 : memref<40x128xf32, #tpu.memory_space<vmem>>)
      %add3A_278 = arith.constant 2 : i32
      %add3A_279 = arith.addi %mul3A_225, %add3A_278 : i32
      %dma_start3A_280 = arith.constant 0 : i32
      %dma_start3A_281 = tpu.memref_slice %arg11[%add3A_279, %dma_start3A_280] : memref<256x40xi32, #tpu.memory_space<vmem>> -> memref<1x40xi32, #tpu.memory_space<vmem>>
      %dma_start3A_282 = tpu.memref_squeeze %dma_start3A_281 : memref<1x40xi32, #tpu.memory_space<vmem>> -> memref<40xi32, #tpu.memory_space<vmem>>
      %dma_start3A_283 = arith.constant 0 : i32
      %dma_start3A_284 = arith.constant 0 : i32
      %dma_start3A_285 = tpu.memref_slice %arg16[%dma_start3A_283, %dma_start3A_284] : memref<10240x128xf32, #tpu.memory_space<vmem_shared>> -> memref<10240x128xf32, #tpu.memory_space<vmem_shared>>
      tpu.enqueue_indirect_dma source(%arg14 : memref<40x128xf32, #tpu.memory_space<vmem>>) target(%dma_start3A_285 : memref<10240x128xf32, #tpu.memory_space<vmem_shared>>) offsets(%dma_start3A_282 : memref<40xi32, #tpu.memory_space<vmem>>) semaphore(%arg23 : memref<!tpu.dma_semaphore, #tpu.memory_space<semaphore_mem>>) {add = true}
      %dma_start3A_286 = arith.constant 0 : i32
      %dma_start3A_287 = tpu.memref_slice %arg11[%add3A_279, %dma_start3A_286] : memref<256x40xi32, #tpu.memory_space<vmem>> -> memref<1x40xi32, #tpu.memory_space<vmem>>
      %dma_start3A_288 = tpu.memref_squeeze %dma_start3A_287 : memref<1x40xi32, #tpu.memory_space<vmem>> -> memref<40xi32, #tpu.memory_space<vmem>>
      %dma_start3A_289 = arith.constant 0 : i32
      %dma_start3A_290 = arith.constant 0 : i32
      %dma_start3A_291 = tpu.memref_slice %arg26[%dma_start3A_289, %dma_start3A_290] : memref<10240x8xf32, #tpu.memory_space<vmem_shared>> -> memref<10240x8xf32, #tpu.memory_space<vmem_shared>>
      tpu.enqueue_indirect_dma source(%arg25 : memref<40x8xf32, #tpu.memory_space<vmem>>) target(%dma_start3A_291 : memref<10240x8xf32, #tpu.memory_space<vmem_shared>>) offsets(%dma_start3A_288 : memref<40xi32, #tpu.memory_space<vmem>>) semaphore(%arg29 : memref<!tpu.dma_semaphore, #tpu.memory_space<semaphore_mem>>) {add = true}
      %add3A_292 = arith.constant 3 : i32
      %add3A_293 = arith.addi %mul3A_225, %add3A_292 : i32
      %dma_wait3A_294 = arith.constant 0 : i32
      %dma_wait3A_295 = tpu.memref_slice %arg10[%add3A_293, %dma_wait3A_294] : memref<256x40xi32, #tpu.memory_space<vmem>> -> memref<1x40xi32, #tpu.memory_space<vmem>>
      %dma_wait3A_296 = tpu.memref_squeeze %dma_wait3A_295 : memref<1x40xi32, #tpu.memory_space<vmem>> -> memref<40xi32, #tpu.memory_space<vmem>>
      %dma_wait3A_297 = arith.constant 0 : i32
      %dma_wait3A_298 = arith.constant 0 : i32
      %dma_wait3A_299 = tpu.memref_slice %arg2[%dma_wait3A_297, %dma_wait3A_298] : memref<10000x128xf32, #tpu.memory_space<hbm>> -> memref<10000x128xf32, #tpu.memory_space<hbm>>
      tpu.wait_indirect_dma semaphore(%arg20 : memref<!tpu.dma_semaphore, #tpu.memory_space<semaphore_mem>>) src(%dma_wait3A_299 : memref<10000x128xf32, #tpu.memory_space<hbm>>) dst(%arg15 : memref<40x128xf32, #tpu.memory_space<vmem>>)
      %add3A_300 = arith.constant 3 : i32
      %add3A_301 = arith.addi %mul3A_225, %add3A_300 : i32
      %dma_start3A_302 = arith.constant 0 : i32
      %dma_start3A_303 = tpu.memref_slice %arg11[%add3A_301, %dma_start3A_302] : memref<256x40xi32, #tpu.memory_space<vmem>> -> memref<1x40xi32, #tpu.memory_space<vmem>>
      %dma_start3A_304 = tpu.memref_squeeze %dma_start3A_303 : memref<1x40xi32, #tpu.memory_space<vmem>> -> memref<40xi32, #tpu.memory_space<vmem>>
      %dma_start3A_305 = arith.constant 0 : i32
      %dma_start3A_306 = arith.constant 0 : i32
      %dma_start3A_307 = tpu.memref_slice %arg16[%dma_start3A_305, %dma_start3A_306] : memref<10240x128xf32, #tpu.memory_space<vmem_shared>> -> memref<10240x128xf32, #tpu.memory_space<vmem_shared>>
      tpu.enqueue_indirect_dma source(%arg15 : memref<40x128xf32, #tpu.memory_space<vmem>>) target(%dma_start3A_307 : memref<10240x128xf32, #tpu.memory_space<vmem_shared>>) offsets(%dma_start3A_304 : memref<40xi32, #tpu.memory_space<vmem>>) semaphore(%arg24 : memref<!tpu.dma_semaphore, #tpu.memory_space<semaphore_mem>>) {add = true}
      %dma_start3A_308 = arith.constant 0 : i32
      %dma_start3A_309 = tpu.memref_slice %arg11[%add3A_301, %dma_start3A_308] : memref<256x40xi32, #tpu.memory_space<vmem>> -> memref<1x40xi32, #tpu.memory_space<vmem>>
      %dma_start3A_310 = tpu.memref_squeeze %dma_start3A_309 : memref<1x40xi32, #tpu.memory_space<vmem>> -> memref<40xi32, #tpu.memory_space<vmem>>
      %dma_start3A_311 = arith.constant 0 : i32
      %dma_start3A_312 = arith.constant 0 : i32
      %dma_start3A_313 = tpu.memref_slice %arg26[%dma_start3A_311, %dma_start3A_312] : memref<10240x8xf32, #tpu.memory_space<vmem_shared>> -> memref<10240x8xf32, #tpu.memory_space<vmem_shared>>
      tpu.enqueue_indirect_dma source(%arg25 : memref<40x8xf32, #tpu.memory_space<vmem>>) target(%dma_start3A_313 : memref<10240x8xf32, #tpu.memory_space<vmem_shared>>) offsets(%dma_start3A_310 : memref<40xi32, #tpu.memory_space<vmem>>) semaphore(%arg30 : memref<!tpu.dma_semaphore, #tpu.memory_space<semaphore_mem>>) {add = true}
      %add3A_314 = arith.constant 0 : i32
      %add3A_315 = arith.addi %mul3A_225, %add3A_314 : i32
      %dma_wait3A_316 = arith.constant 0 : i32
      %dma_wait3A_317 = tpu.memref_slice %arg11[%add3A_315, %dma_wait3A_316] : memref<256x40xi32, #tpu.memory_space<vmem>> -> memref<1x40xi32, #tpu.memory_space<vmem>>
      %dma_wait3A_318 = tpu.memref_squeeze %dma_wait3A_317 : memref<1x40xi32, #tpu.memory_space<vmem>> -> memref<40xi32, #tpu.memory_space<vmem>>
      %dma_wait3A_319 = arith.constant 0 : i32
      %dma_wait3A_320 = arith.constant 0 : i32
      %dma_wait3A_321 = tpu.memref_slice %arg16[%dma_wait3A_319, %dma_wait3A_320] : memref<10240x128xf32, #tpu.memory_space<vmem_shared>> -> memref<10240x128xf32, #tpu.memory_space<vmem_shared>>
      tpu.wait_indirect_dma semaphore(%arg21 : memref<!tpu.dma_semaphore, #tpu.memory_space<semaphore_mem>>) src(%arg12 : memref<40x128xf32, #tpu.memory_space<vmem>>) dst(%dma_wait3A_321 : memref<10240x128xf32, #tpu.memory_space<vmem_shared>>)
      %dma_wait3A_322 = arith.constant 0 : i32
      %dma_wait3A_323 = tpu.memref_slice %arg11[%add3A_315, %dma_wait3A_322] : memref<256x40xi32, #tpu.memory_space<vmem>> -> memref<1x40xi32, #tpu.memory_space<vmem>>
      %dma_wait3A_324 = tpu.memref_squeeze %dma_wait3A_323 : memref<1x40xi32, #tpu.memory_space<vmem>> -> memref<40xi32, #tpu.memory_space<vmem>>
      %dma_wait3A_325 = arith.constant 0 : i32
      %dma_wait3A_326 = arith.constant 0 : i32
      %dma_wait3A_327 = tpu.memref_slice %arg26[%dma_wait3A_325, %dma_wait3A_326] : memref<10240x8xf32, #tpu.memory_space<vmem_shared>> -> memref<10240x8xf32, #tpu.memory_space<vmem_shared>>
      tpu.wait_indirect_dma semaphore(%arg27 : memref<!tpu.dma_semaphore, #tpu.memory_space<semaphore_mem>>) src(%arg25 : memref<40x8xf32, #tpu.memory_space<vmem>>) dst(%dma_wait3A_327 : memref<10240x8xf32, #tpu.memory_space<vmem_shared>>)
      %add3A_328 = arith.constant 4 : i32
      %add3A_329 = arith.addi %mul3A_225, %add3A_328 : i32
      %add3A_330 = arith.constant 0 : i32
      %add3A_331 = arith.addi %add3A_329, %add3A_330 : i32
      %dma_start3A_332 = arith.constant 0 : i32
      %dma_start3A_333 = tpu.memref_slice %arg10[%add3A_331, %dma_start3A_332] : memref<256x40xi32, #tpu.memory_space<vmem>> -> memref<1x40xi32, #tpu.memory_space<vmem>>
      %dma_start3A_334 = tpu.memref_squeeze %dma_start3A_333 : memref<1x40xi32, #tpu.memory_space<vmem>> -> memref<40xi32, #tpu.memory_space<vmem>>
      %dma_start3A_335 = arith.constant 0 : i32
      %dma_start3A_336 = arith.constant 0 : i32
      %dma_start3A_337 = tpu.memref_slice %arg2[%dma_start3A_335, %dma_start3A_336] : memref<10000x128xf32, #tpu.memory_space<hbm>> -> memref<10000x128xf32, #tpu.memory_space<hbm>>
      tpu.enqueue_indirect_dma source(%dma_start3A_337 : memref<10000x128xf32, #tpu.memory_space<hbm>>) target(%arg12 : memref<40x128xf32, #tpu.memory_space<vmem>>) offsets(%dma_start3A_334 : memref<40xi32, #tpu.memory_space<vmem>>) semaphore(%arg17 : memref<!tpu.dma_semaphore, #tpu.memory_space<semaphore_mem>>)
      %add3A_338 = arith.constant 1 : i32
      %add3A_339 = arith.addi %mul3A_225, %add3A_338 : i32
      %dma_wait3A_340 = arith.constant 0 : i32
      %dma_wait3A_341 = tpu.memref_slice %arg11[%add3A_339, %dma_wait3A_340] : memref<256x40xi32, #tpu.memory_space<vmem>> -> memref<1x40xi32, #tpu.memory_space<vmem>>
      %dma_wait3A_342 = tpu.memref_squeeze %dma_wait3A_341 : memref<1x40xi32, #tpu.memory_space<vmem>> -> memref<40xi32, #tpu.memory_space<vmem>>
      %dma_wait3A_343 = arith.constant 0 : i32
      %dma_wait3A_344 = arith.constant 0 : i32
      %dma_wait3A_345 = tpu.memref_slice %arg16[%dma_wait3A_343, %dma_wait3A_344] : memref<10240x128xf32, #tpu.memory_space<vmem_shared>> -> memref<10240x128xf32, #tpu.memory_space<vmem_shared>>
      tpu.wait_indirect_dma semaphore(%arg22 : memref<!tpu.dma_semaphore, #tpu.memory_space<semaphore_mem>>) src(%arg13 : memref<40x128xf32, #tpu.memory_space<vmem>>) dst(%dma_wait3A_345 : memref<10240x128xf32, #tpu.memory_space<vmem_shared>>)
      %dma_wait3A_346 = arith.constant 0 : i32
      %dma_wait3A_347 = tpu.memref_slice %arg11[%add3A_339, %dma_wait3A_346] : memref<256x40xi32, #tpu.memory_space<vmem>> -> memref<1x40xi32, #tpu.memory_space<vmem>>
      %dma_wait3A_348 = tpu.memref_squeeze %dma_wait3A_347 : memref<1x40xi32, #tpu.memory_space<vmem>> -> memref<40xi32, #tpu.memory_space<vmem>>
      %dma_wait3A_349 = arith.constant 0 : i32
      %dma_wait3A_350 = arith.constant 0 : i32
      %dma_wait3A_351 = tpu.memref_slice %arg26[%dma_wait3A_349, %dma_wait3A_350] : memref<10240x8xf32, #tpu.memory_space<vmem_shared>> -> memref<10240x8xf32, #tpu.memory_space<vmem_shared>>
      tpu.wait_indirect_dma semaphore(%arg28 : memref<!tpu.dma_semaphore, #tpu.memory_space<semaphore_mem>>) src(%arg25 : memref<40x8xf32, #tpu.memory_space<vmem>>) dst(%dma_wait3A_351 : memref<10240x8xf32, #tpu.memory_space<vmem_shared>>)
      %add3A_352 = arith.constant 4 : i32
      %add3A_353 = arith.addi %mul3A_225, %add3A_352 : i32
      %add3A_354 = arith.constant 1 : i32
      %add3A_355 = arith.addi %add3A_353, %add3A_354 : i32
      %dma_start3A_356 = arith.constant 0 : i32
      %dma_start3A_357 = tpu.memref_slice %arg10[%add3A_355, %dma_start3A_356] : memref<256x40xi32, #tpu.memory_space<vmem>> -> memref<1x40xi32, #tpu.memory_space<vmem>>
      %dma_start3A_358 = tpu.memref_squeeze %dma_start3A_357 : memref<1x40xi32, #tpu.memory_space<vmem>> -> memref<40xi32, #tpu.memory_space<vmem>>
      %dma_start3A_359 = arith.constant 0 : i32
      %dma_start3A_360 = arith.constant 0 : i32
      %dma_start3A_361 = tpu.memref_slice %arg2[%dma_start3A_359, %dma_start3A_360] : memref<10000x128xf32, #tpu.memory_space<hbm>> -> memref<10000x128xf32, #tpu.memory_space<hbm>>
      tpu.enqueue_indirect_dma source(%dma_start3A_361 : memref<10000x128xf32, #tpu.memory_space<hbm>>) target(%arg13 : memref<40x128xf32, #tpu.memory_space<vmem>>) offsets(%dma_start3A_358 : memref<40xi32, #tpu.memory_space<vmem>>) semaphore(%arg18 : memref<!tpu.dma_semaphore, #tpu.memory_space<semaphore_mem>>)
      %add3A_362 = arith.constant 2 : i32
      %add3A_363 = arith.addi %mul3A_225, %add3A_362 : i32
      %dma_wait3A_364 = arith.constant 0 : i32
      %dma_wait3A_365 = tpu.memref_slice %arg11[%add3A_363, %dma_wait3A_364] : memref<256x40xi32, #tpu.memory_space<vmem>> -> memref<1x40xi32, #tpu.memory_space<vmem>>
      %dma_wait3A_366 = tpu.memref_squeeze %dma_wait3A_365 : memref<1x40xi32, #tpu.memory_space<vmem>> -> memref<40xi32, #tpu.memory_space<vmem>>
      %dma_wait3A_367 = arith.constant 0 : i32
      %dma_wait3A_368 = arith.constant 0 : i32
      %dma_wait3A_369 = tpu.memref_slice %arg16[%dma_wait3A_367, %dma_wait3A_368] : memref<10240x128xf32, #tpu.memory_space<vmem_shared>> -> memref<10240x128xf32, #tpu.memory_space<vmem_shared>>
      tpu.wait_indirect_dma semaphore(%arg23 : memref<!tpu.dma_semaphore, #tpu.memory_space<semaphore_mem>>) src(%arg14 : memref<40x128xf32, #tpu.memory_space<vmem>>) dst(%dma_wait3A_369 : memref<10240x128xf32, #tpu.memory_space<vmem_shared>>)
      %dma_wait3A_370 = arith.constant 0 : i32
      %dma_wait3A_371 = tpu.memref_slice %arg11[%add3A_363, %dma_wait3A_370] : memref<256x40xi32, #tpu.memory_space<vmem>> -> memref<1x40xi32, #tpu.memory_space<vmem>>
      %dma_wait3A_372 = tpu.memref_squeeze %dma_wait3A_371 : memref<1x40xi32, #tpu.memory_space<vmem>> -> memref<40xi32, #tpu.memory_space<vmem>>
      %dma_wait3A_373 = arith.constant 0 : i32
      %dma_wait3A_374 = arith.constant 0 : i32
      %dma_wait3A_375 = tpu.memref_slice %arg26[%dma_wait3A_373, %dma_wait3A_374] : memref<10240x8xf32, #tpu.memory_space<vmem_shared>> -> memref<10240x8xf32, #tpu.memory_space<vmem_shared>>
      tpu.wait_indirect_dma semaphore(%arg29 : memref<!tpu.dma_semaphore, #tpu.memory_space<semaphore_mem>>) src(%arg25 : memref<40x8xf32, #tpu.memory_space<vmem>>) dst(%dma_wait3A_375 : memref<10240x8xf32, #tpu.memory_space<vmem_shared>>)
      %add3A_376 = arith.constant 4 : i32
      %add3A_377 = arith.addi %mul3A_225, %add3A_376 : i32
      %add3A_378 = arith.constant 2 : i32
      %add3A_379 = arith.addi %add3A_377, %add3A_378 : i32
      %dma_start3A_380 = arith.constant 0 : i32
      %dma_start3A_381 = tpu.memref_slice %arg10[%add3A_379, %dma_start3A_380] : memref<256x40xi32, #tpu.memory_space<vmem>> -> memref<1x40xi32, #tpu.memory_space<vmem>>
      %dma_start3A_382 = tpu.memref_squeeze %dma_start3A_381 : memref<1x40xi32, #tpu.memory_space<vmem>> -> memref<40xi32, #tpu.memory_space<vmem>>
      %dma_start3A_383 = arith.constant 0 : i32
      %dma_start3A_384 = arith.constant 0 : i32
      %dma_start3A_385 = tpu.memref_slice %arg2[%dma_start3A_383, %dma_start3A_384] : memref<10000x128xf32, #tpu.memory_space<hbm>> -> memref<10000x128xf32, #tpu.memory_space<hbm>>
      tpu.enqueue_indirect_dma source(%dma_start3A_385 : memref<10000x128xf32, #tpu.memory_space<hbm>>) target(%arg14 : memref<40x128xf32, #tpu.memory_space<vmem>>) offsets(%dma_start3A_382 : memref<40xi32, #tpu.memory_space<vmem>>) semaphore(%arg19 : memref<!tpu.dma_semaphore, #tpu.memory_space<semaphore_mem>>)
      %add3A_386 = arith.constant 3 : i32
      %add3A_387 = arith.addi %mul3A_225, %add3A_386 : i32
      %dma_wait3A_388 = arith.constant 0 : i32
      %dma_wait3A_389 = tpu.memref_slice %arg11[%add3A_387, %dma_wait3A_388] : memref<256x40xi32, #tpu.memory_space<vmem>> -> memref<1x40xi32, #tpu.memory_space<vmem>>
      %dma_wait3A_390 = tpu.memref_squeeze %dma_wait3A_389 : memref<1x40xi32, #tpu.memory_space<vmem>> -> memref<40xi32, #tpu.memory_space<vmem>>
      %dma_wait3A_391 = arith.constant 0 : i32
      %dma_wait3A_392 = arith.constant 0 : i32
      %dma_wait3A_393 = tpu.memref_slice %arg16[%dma_wait3A_391, %dma_wait3A_392] : memref<10240x128xf32, #tpu.memory_space<vmem_shared>> -> memref<10240x128xf32, #tpu.memory_space<vmem_shared>>
      tpu.wait_indirect_dma semaphore(%arg24 : memref<!tpu.dma_semaphore, #tpu.memory_space<semaphore_mem>>) src(%arg15 : memref<40x128xf32, #tpu.memory_space<vmem>>) dst(%dma_wait3A_393 : memref<10240x128xf32, #tpu.memory_space<vmem_shared>>)
      %dma_wait3A_394 = arith.constant 0 : i32
      %dma_wait3A_395 = tpu.memref_slice %arg11[%add3A_387, %dma_wait3A_394] : memref<256x40xi32, #tpu.memory_space<vmem>> -> memref<1x40xi32, #tpu.memory_space<vmem>>
      %dma_wait3A_396 = tpu.memref_squeeze %dma_wait3A_395 : memref<1x40xi32, #tpu.memory_space<vmem>> -> memref<40xi32, #tpu.memory_space<vmem>>
      %dma_wait3A_397 = arith.constant 0 : i32
      %dma_wait3A_398 = arith.constant 0 : i32
      %dma_wait3A_399 = tpu.memref_slice %arg26[%dma_wait3A_397, %dma_wait3A_398] : memref<10240x8xf32, #tpu.memory_space<vmem_shared>> -> memref<10240x8xf32, #tpu.memory_space<vmem_shared>>
      tpu.wait_indirect_dma semaphore(%arg30 : memref<!tpu.dma_semaphore, #tpu.memory_space<semaphore_mem>>) src(%arg25 : memref<40x8xf32, #tpu.memory_space<vmem>>) dst(%dma_wait3A_399 : memref<10240x8xf32, #tpu.memory_space<vmem_shared>>)
      %add3A_400 = arith.constant 4 : i32
      %add3A_401 = arith.addi %mul3A_225, %add3A_400 : i32
      %add3A_402 = arith.constant 3 : i32
      %add3A_403 = arith.addi %add3A_401, %add3A_402 : i32
      %dma_start3A_404 = arith.constant 0 : i32
      %dma_start3A_405 = tpu.memref_slice %arg10[%add3A_403, %dma_start3A_404] : memref<256x40xi32, #tpu.memory_space<vmem>> -> memref<1x40xi32, #tpu.memory_space<vmem>>
      %dma_start3A_406 = tpu.memref_squeeze %dma_start3A_405 : memref<1x40xi32, #tpu.memory_space<vmem>> -> memref<40xi32, #tpu.memory_space<vmem>>
      %dma_start3A_407 = arith.constant 0 : i32
      %dma_start3A_408 = arith.constant 0 : i32
      %dma_start3A_409 = tpu.memref_slice %arg2[%dma_start3A_407, %dma_start3A_408] : memref<10000x128xf32, #tpu.memory_space<hbm>> -> memref<10000x128xf32, #tpu.memory_space<hbm>>
      tpu.enqueue_indirect_dma source(%dma_start3A_409 : memref<10000x128xf32, #tpu.memory_space<hbm>>) target(%arg15 : memref<40x128xf32, #tpu.memory_space<vmem>>) offsets(%dma_start3A_406 : memref<40xi32, #tpu.memory_space<vmem>>) semaphore(%arg20 : memref<!tpu.dma_semaphore, #tpu.memory_space<semaphore_mem>>)
    }
    %scan3A_59 = arith.constant 63 : i32
    %dma_wait3A_60 = arith.constant 252 : i32
    %dma_wait3A_61 = arith.constant 0 : i32
    %dma_wait3A_62 = tpu.memref_slice %arg10[%dma_wait3A_60, %dma_wait3A_61] : memref<256x40xi32, #tpu.memory_space<vmem>> -> memref<1x40xi32, #tpu.memory_space<vmem>>
    %dma_wait3A_63 = tpu.memref_squeeze %dma_wait3A_62 : memref<1x40xi32, #tpu.memory_space<vmem>> -> memref<40xi32, #tpu.memory_space<vmem>>
    %dma_wait3A_64 = arith.constant 0 : i32
    %dma_wait3A_65 = arith.constant 0 : i32
    %dma_wait3A_66 = tpu.memref_slice %arg2[%dma_wait3A_64, %dma_wait3A_65] : memref<10000x128xf32, #tpu.memory_space<hbm>> -> memref<10000x128xf32, #tpu.memory_space<hbm>>
    tpu.wait_indirect_dma semaphore(%arg17 : memref<!tpu.dma_semaphore, #tpu.memory_space<semaphore_mem>>) src(%dma_wait3A_66 : memref<10000x128xf32, #tpu.memory_space<hbm>>) dst(%arg12 : memref<40x128xf32, #tpu.memory_space<vmem>>)
    %dma_start3A_67 = arith.constant 252 : i32
    %dma_start3A_68 = arith.constant 0 : i32
    %dma_start3A_69 = tpu.memref_slice %arg11[%dma_start3A_67, %dma_start3A_68] : memref<256x40xi32, #tpu.memory_space<vmem>> -> memref<1x40xi32, #tpu.memory_space<vmem>>
    %dma_start3A_70 = tpu.memref_squeeze %dma_start3A_69 : memref<1x40xi32, #tpu.memory_space<vmem>> -> memref<40xi32, #tpu.memory_space<vmem>>
    %dma_start3A_71 = arith.constant 0 : i32
    %dma_start3A_72 = arith.constant 0 : i32
    %dma_start3A_73 = tpu.memref_slice %arg16[%dma_start3A_71, %dma_start3A_72] : memref<10240x128xf32, #tpu.memory_space<vmem_shared>> -> memref<10240x128xf32, #tpu.memory_space<vmem_shared>>
    tpu.enqueue_indirect_dma source(%arg12 : memref<40x128xf32, #tpu.memory_space<vmem>>) target(%dma_start3A_73 : memref<10240x128xf32, #tpu.memory_space<vmem_shared>>) offsets(%dma_start3A_70 : memref<40xi32, #tpu.memory_space<vmem>>) semaphore(%arg21 : memref<!tpu.dma_semaphore, #tpu.memory_space<semaphore_mem>>) {add = true}
    %dma_start3A_74 = arith.constant 252 : i32
    %dma_start3A_75 = arith.constant 0 : i32
    %dma_start3A_76 = tpu.memref_slice %arg11[%dma_start3A_74, %dma_start3A_75] : memref<256x40xi32, #tpu.memory_space<vmem>> -> memref<1x40xi32, #tpu.memory_space<vmem>>
    %dma_start3A_77 = tpu.memref_squeeze %dma_start3A_76 : memref<1x40xi32, #tpu.memory_space<vmem>> -> memref<40xi32, #tpu.memory_space<vmem>>
    %dma_start3A_78 = arith.constant 0 : i32
    %dma_start3A_79 = arith.constant 0 : i32
    %dma_start3A_80 = tpu.memref_slice %arg26[%dma_start3A_78, %dma_start3A_79] : memref<10240x8xf32, #tpu.memory_space<vmem_shared>> -> memref<10240x8xf32, #tpu.memory_space<vmem_shared>>
    tpu.enqueue_indirect_dma source(%arg25 : memref<40x8xf32, #tpu.memory_space<vmem>>) target(%dma_start3A_80 : memref<10240x8xf32, #tpu.memory_space<vmem_shared>>) offsets(%dma_start3A_77 : memref<40xi32, #tpu.memory_space<vmem>>) semaphore(%arg27 : memref<!tpu.dma_semaphore, #tpu.memory_space<semaphore_mem>>) {add = true}
    %dma_wait3A_81 = arith.constant 253 : i32
    %dma_wait3A_82 = arith.constant 0 : i32
    %dma_wait3A_83 = tpu.memref_slice %arg10[%dma_wait3A_81, %dma_wait3A_82] : memref<256x40xi32, #tpu.memory_space<vmem>> -> memref<1x40xi32, #tpu.memory_space<vmem>>
    %dma_wait3A_84 = tpu.memref_squeeze %dma_wait3A_83 : memref<1x40xi32, #tpu.memory_space<vmem>> -> memref<40xi32, #tpu.memory_space<vmem>>
    %dma_wait3A_85 = arith.constant 0 : i32
    %dma_wait3A_86 = arith.constant 0 : i32
    %dma_wait3A_87 = tpu.memref_slice %arg2[%dma_wait3A_85, %dma_wait3A_86] : memref<10000x128xf32, #tpu.memory_space<hbm>> -> memref<10000x128xf32, #tpu.memory_space<hbm>>
    tpu.wait_indirect_dma semaphore(%arg18 : memref<!tpu.dma_semaphore, #tpu.memory_space<semaphore_mem>>) src(%dma_wait3A_87 : memref<10000x128xf32, #tpu.memory_space<hbm>>) dst(%arg13 : memref<40x128xf32, #tpu.memory_space<vmem>>)
    %dma_start3A_88 = arith.constant 253 : i32
    %dma_start3A_89 = arith.constant 0 : i32
    %dma_start3A_90 = tpu.memref_slice %arg11[%dma_start3A_88, %dma_start3A_89] : memref<256x40xi32, #tpu.memory_space<vmem>> -> memref<1x40xi32, #tpu.memory_space<vmem>>
    %dma_start3A_91 = tpu.memref_squeeze %dma_start3A_90 : memref<1x40xi32, #tpu.memory_space<vmem>> -> memref<40xi32, #tpu.memory_space<vmem>>
    %dma_start3A_92 = arith.constant 0 : i32
    %dma_start3A_93 = arith.constant 0 : i32
    %dma_start3A_94 = tpu.memref_slice %arg16[%dma_start3A_92, %dma_start3A_93] : memref<10240x128xf32, #tpu.memory_space<vmem_shared>> -> memref<10240x128xf32, #tpu.memory_space<vmem_shared>>
    tpu.enqueue_indirect_dma source(%arg13 : memref<40x128xf32, #tpu.memory_space<vmem>>) target(%dma_start3A_94 : memref<10240x128xf32, #tpu.memory_space<vmem_shared>>) offsets(%dma_start3A_91 : memref<40xi32, #tpu.memory_space<vmem>>) semaphore(%arg22 : memref<!tpu.dma_semaphore, #tpu.memory_space<semaphore_mem>>) {add = true}
    %dma_start3A_95 = arith.constant 253 : i32
    %dma_start3A_96 = arith.constant 0 : i32
    %dma_start3A_97 = tpu.memref_slice %arg11[%dma_start3A_95, %dma_start3A_96] : memref<256x40xi32, #tpu.memory_space<vmem>> -> memref<1x40xi32, #tpu.memory_space<vmem>>
    %dma_start3A_98 = tpu.memref_squeeze %dma_start3A_97 : memref<1x40xi32, #tpu.memory_space<vmem>> -> memref<40xi32, #tpu.memory_space<vmem>>
    %dma_start3A_99 = arith.constant 0 : i32
    %dma_start3A_100 = arith.constant 0 : i32
    %dma_start3A_101 = tpu.memref_slice %arg26[%dma_start3A_99, %dma_start3A_100] : memref<10240x8xf32, #tpu.memory_space<vmem_shared>> -> memref<10240x8xf32, #tpu.memory_space<vmem_shared>>
    tpu.enqueue_indirect_dma source(%arg25 : memref<40x8xf32, #tpu.memory_space<vmem>>) target(%dma_start3A_101 : memref<10240x8xf32, #tpu.memory_space<vmem_shared>>) offsets(%dma_start3A_98 : memref<40xi32, #tpu.memory_space<vmem>>) semaphore(%arg28 : memref<!tpu.dma_semaphore, #tpu.memory_space<semaphore_mem>>) {add = true}
    %dma_wait3A_102 = arith.constant 254 : i32
    %dma_wait3A_103 = arith.constant 0 : i32
    %dma_wait3A_104 = tpu.memref_slice %arg10[%dma_wait3A_102, %dma_wait3A_103] : memref<256x40xi32, #tpu.memory_space<vmem>> -> memref<1x40xi32, #tpu.memory_space<vmem>>
    %dma_wait3A_105 = tpu.memref_squeeze %dma_wait3A_104 : memref<1x40xi32, #tpu.memory_space<vmem>> -> memref<40xi32, #tpu.memory_space<vmem>>
    %dma_wait3A_106 = arith.constant 0 : i32
    %dma_wait3A_107 = arith.constant 0 : i32
    %dma_wait3A_108 = tpu.memref_slice %arg2[%dma_wait3A_106, %dma_wait3A_107] : memref<10000x128xf32, #tpu.memory_space<hbm>> -> memref<10000x128xf32, #tpu.memory_space<hbm>>
    tpu.wait_indirect_dma semaphore(%arg19 : memref<!tpu.dma_semaphore, #tpu.memory_space<semaphore_mem>>) src(%dma_wait3A_108 : memref<10000x128xf32, #tpu.memory_space<hbm>>) dst(%arg14 : memref<40x128xf32, #tpu.memory_space<vmem>>)
    %dma_start3A_109 = arith.constant 254 : i32
    %dma_start3A_110 = arith.constant 0 : i32
    %dma_start3A_111 = tpu.memref_slice %arg11[%dma_start3A_109, %dma_start3A_110] : memref<256x40xi32, #tpu.memory_space<vmem>> -> memref<1x40xi32, #tpu.memory_space<vmem>>
    %dma_start3A_112 = tpu.memref_squeeze %dma_start3A_111 : memref<1x40xi32, #tpu.memory_space<vmem>> -> memref<40xi32, #tpu.memory_space<vmem>>
    %dma_start3A_113 = arith.constant 0 : i32
    %dma_start3A_114 = arith.constant 0 : i32
    %dma_start3A_115 = tpu.memref_slice %arg16[%dma_start3A_113, %dma_start3A_114] : memref<10240x128xf32, #tpu.memory_space<vmem_shared>> -> memref<10240x128xf32, #tpu.memory_space<vmem_shared>>
    tpu.enqueue_indirect_dma source(%arg14 : memref<40x128xf32, #tpu.memory_space<vmem>>) target(%dma_start3A_115 : memref<10240x128xf32, #tpu.memory_space<vmem_shared>>) offsets(%dma_start3A_112 : memref<40xi32, #tpu.memory_space<vmem>>) semaphore(%arg23 : memref<!tpu.dma_semaphore, #tpu.memory_space<semaphore_mem>>) {add = true}
    %dma_start3A_116 = arith.constant 254 : i32
    %dma_start3A_117 = arith.constant 0 : i32
    %dma_start3A_118 = tpu.memref_slice %arg11[%dma_start3A_116, %dma_start3A_117] : memref<256x40xi32, #tpu.memory_space<vmem>> -> memref<1x40xi32, #tpu.memory_space<vmem>>
    %dma_start3A_119 = tpu.memref_squeeze %dma_start3A_118 : memref<1x40xi32, #tpu.memory_space<vmem>> -> memref<40xi32, #tpu.memory_space<vmem>>
    %dma_start3A_120 = arith.constant 0 : i32
    %dma_start3A_121 = arith.constant 0 : i32
    %dma_start3A_122 = tpu.memref_slice %arg26[%dma_start3A_120, %dma_start3A_121] : memref<10240x8xf32, #tpu.memory_space<vmem_shared>> -> memref<10240x8xf32, #tpu.memory_space<vmem_shared>>
    tpu.enqueue_indirect_dma source(%arg25 : memref<40x8xf32, #tpu.memory_space<vmem>>) target(%dma_start3A_122 : memref<10240x8xf32, #tpu.memory_space<vmem_shared>>) offsets(%dma_start3A_119 : memref<40xi32, #tpu.memory_space<vmem>>) semaphore(%arg29 : memref<!tpu.dma_semaphore, #tpu.memory_space<semaphore_mem>>) {add = true}
    %dma_wait3A_123 = arith.constant 255 : i32
    %dma_wait3A_124 = arith.constant 0 : i32
    %dma_wait3A_125 = tpu.memref_slice %arg10[%dma_wait3A_123, %dma_wait3A_124] : memref<256x40xi32, #tpu.memory_space<vmem>> -> memref<1x40xi32, #tpu.memory_space<vmem>>
    %dma_wait3A_126 = tpu.memref_squeeze %dma_wait3A_125 : memref<1x40xi32, #tpu.memory_space<vmem>> -> memref<40xi32, #tpu.memory_space<vmem>>
    %dma_wait3A_127 = arith.constant 0 : i32
    %dma_wait3A_128 = arith.constant 0 : i32
    %dma_wait3A_129 = tpu.memref_slice %arg2[%dma_wait3A_127, %dma_wait3A_128] : memref<10000x128xf32, #tpu.memory_space<hbm>> -> memref<10000x128xf32, #tpu.memory_space<hbm>>
    tpu.wait_indirect_dma semaphore(%arg20 : memref<!tpu.dma_semaphore, #tpu.memory_space<semaphore_mem>>) src(%dma_wait3A_129 : memref<10000x128xf32, #tpu.memory_space<hbm>>) dst(%arg15 : memref<40x128xf32, #tpu.memory_space<vmem>>)
    %dma_start3A_130 = arith.constant 255 : i32
    %dma_start3A_131 = arith.constant 0 : i32
    %dma_start3A_132 = tpu.memref_slice %arg11[%dma_start3A_130, %dma_start3A_131] : memref<256x40xi32, #tpu.memory_space<vmem>> -> memref<1x40xi32, #tpu.memory_space<vmem>>
    %dma_start3A_133 = tpu.memref_squeeze %dma_start3A_132 : memref<1x40xi32, #tpu.memory_space<vmem>> -> memref<40xi32, #tpu.memory_space<vmem>>
    %dma_start3A_134 = arith.constant 0 : i32
    %dma_start3A_135 = arith.constant 0 : i32
    %dma_start3A_136 = tpu.memref_slice %arg16[%dma_start3A_134, %dma_start3A_135] : memref<10240x128xf32, #tpu.memory_space<vmem_shared>> -> memref<10240x128xf32, #tpu.memory_space<vmem_shared>>
    tpu.enqueue_indirect_dma source(%arg15 : memref<40x128xf32, #tpu.memory_space<vmem>>) target(%dma_start3A_136 : memref<10240x128xf32, #tpu.memory_space<vmem_shared>>) offsets(%dma_start3A_133 : memref<40xi32, #tpu.memory_space<vmem>>) semaphore(%arg24 : memref<!tpu.dma_semaphore, #tpu.memory_space<semaphore_mem>>) {add = true}
    %dma_start3A_137 = arith.constant 255 : i32
    %dma_start3A_138 = arith.constant 0 : i32
    %dma_start3A_139 = tpu.memref_slice %arg11[%dma_start3A_137, %dma_start3A_138] : memref<256x40xi32, #tpu.memory_space<vmem>> -> memref<1x40xi32, #tpu.memory_space<vmem>>
    %dma_start3A_140 = tpu.memref_squeeze %dma_start3A_139 : memref<1x40xi32, #tpu.memory_space<vmem>> -> memref<40xi32, #tpu.memory_space<vmem>>
    %dma_start3A_141 = arith.constant 0 : i32
    %dma_start3A_142 = arith.constant 0 : i32
    %dma_start3A_143 = tpu.memref_slice %arg26[%dma_start3A_141, %dma_start3A_142] : memref<10240x8xf32, #tpu.memory_space<vmem_shared>> -> memref<10240x8xf32, #tpu.memory_space<vmem_shared>>
    tpu.enqueue_indirect_dma source(%arg25 : memref<40x8xf32, #tpu.memory_space<vmem>>) target(%dma_start3A_143 : memref<10240x8xf32, #tpu.memory_space<vmem_shared>>) offsets(%dma_start3A_140 : memref<40xi32, #tpu.memory_space<vmem>>) semaphore(%arg30 : memref<!tpu.dma_semaphore, #tpu.memory_space<semaphore_mem>>) {add = true}
    %dma_wait3A_144 = arith.constant 252 : i32
    %dma_wait3A_145 = arith.constant 0 : i32
    %dma_wait3A_146 = tpu.memref_slice %arg11[%dma_wait3A_144, %dma_wait3A_145] : memref<256x40xi32, #tpu.memory_space<vmem>> -> memref<1x40xi32, #tpu.memory_space<vmem>>
    %dma_wait3A_147 = tpu.memref_squeeze %dma_wait3A_146 : memref<1x40xi32, #tpu.memory_space<vmem>> -> memref<40xi32, #tpu.memory_space<vmem>>
    %dma_wait3A_148 = arith.constant 0 : i32
    %dma_wait3A_149 = arith.constant 0 : i32
    %dma_wait3A_150 = tpu.memref_slice %arg16[%dma_wait3A_148, %dma_wait3A_149] : memref<10240x128xf32, #tpu.memory_space<vmem_shared>> -> memref<10240x128xf32, #tpu.memory_space<vmem_shared>>
    tpu.wait_indirect_dma semaphore(%arg21 : memref<!tpu.dma_semaphore, #tpu.memory_space<semaphore_mem>>) src(%arg12 : memref<40x128xf32, #tpu.memory_space<vmem>>) dst(%dma_wait3A_150 : memref<10240x128xf32, #tpu.memory_space<vmem_shared>>)
    %dma_wait3A_151 = arith.constant 252 : i32
    %dma_wait3A_152 = arith.constant 0 : i32
    %dma_wait3A_153 = tpu.memref_slice %arg11[%dma_wait3A_151, %dma_wait3A_152] : memref<256x40xi32, #tpu.memory_space<vmem>> -> memref<1x40xi32, #tpu.memory_space<vmem>>
    %dma_wait3A_154 = tpu.memref_squeeze %dma_wait3A_153 : memref<1x40xi32, #tpu.memory_space<vmem>> -> memref<40xi32, #tpu.memory_space<vmem>>
    %dma_wait3A_155 = arith.constant 0 : i32
    %dma_wait3A_156 = arith.constant 0 : i32
    %dma_wait3A_157 = tpu.memref_slice %arg26[%dma_wait3A_155, %dma_wait3A_156] : memref<10240x8xf32, #tpu.memory_space<vmem_shared>> -> memref<10240x8xf32, #tpu.memory_space<vmem_shared>>
    tpu.wait_indirect_dma semaphore(%arg27 : memref<!tpu.dma_semaphore, #tpu.memory_space<semaphore_mem>>) src(%arg25 : memref<40x8xf32, #tpu.memory_space<vmem>>) dst(%dma_wait3A_157 : memref<10240x8xf32, #tpu.memory_space<vmem_shared>>)
    %dma_wait3A_158 = arith.constant 253 : i32
    %dma_wait3A_159 = arith.constant 0 : i32
    %dma_wait3A_160 = tpu.memref_slice %arg11[%dma_wait3A_158, %dma_wait3A_159] : memref<256x40xi32, #tpu.memory_space<vmem>> -> memref<1x40xi32, #tpu.memory_space<vmem>>
    %dma_wait3A_161 = tpu.memref_squeeze %dma_wait3A_160 : memref<1x40xi32, #tpu.memory_space<vmem>> -> memref<40xi32, #tpu.memory_space<vmem>>
    %dma_wait3A_162 = arith.constant 0 : i32
    %dma_wait3A_163 = arith.constant 0 : i32
    %dma_wait3A_164 = tpu.memref_slice %arg16[%dma_wait3A_162, %dma_wait3A_163] : memref<10240x128xf32, #tpu.memory_space<vmem_shared>> -> memref<10240x128xf32, #tpu.memory_space<vmem_shared>>
    tpu.wait_indirect_dma semaphore(%arg22 : memref<!tpu.dma_semaphore, #tpu.memory_space<semaphore_mem>>) src(%arg13 : memref<40x128xf32, #tpu.memory_space<vmem>>) dst(%dma_wait3A_164 : memref<10240x128xf32, #tpu.memory_space<vmem_shared>>)
    %dma_wait3A_165 = arith.constant 253 : i32
    %dma_wait3A_166 = arith.constant 0 : i32
    %dma_wait3A_167 = tpu.memref_slice %arg11[%dma_wait3A_165, %dma_wait3A_166] : memref<256x40xi32, #tpu.memory_space<vmem>> -> memref<1x40xi32, #tpu.memory_space<vmem>>
    %dma_wait3A_168 = tpu.memref_squeeze %dma_wait3A_167 : memref<1x40xi32, #tpu.memory_space<vmem>> -> memref<40xi32, #tpu.memory_space<vmem>>
    %dma_wait3A_169 = arith.constant 0 : i32
    %dma_wait3A_170 = arith.constant 0 : i32
    %dma_wait3A_171 = tpu.memref_slice %arg26[%dma_wait3A_169, %dma_wait3A_170] : memref<10240x8xf32, #tpu.memory_space<vmem_shared>> -> memref<10240x8xf32, #tpu.memory_space<vmem_shared>>
    tpu.wait_indirect_dma semaphore(%arg28 : memref<!tpu.dma_semaphore, #tpu.memory_space<semaphore_mem>>) src(%arg25 : memref<40x8xf32, #tpu.memory_space<vmem>>) dst(%dma_wait3A_171 : memref<10240x8xf32, #tpu.memory_space<vmem_shared>>)
    %dma_wait3A_172 = arith.constant 254 : i32
    %dma_wait3A_173 = arith.constant 0 : i32
    %dma_wait3A_174 = tpu.memref_slice %arg11[%dma_wait3A_172, %dma_wait3A_173] : memref<256x40xi32, #tpu.memory_space<vmem>> -> memref<1x40xi32, #tpu.memory_space<vmem>>
    %dma_wait3A_175 = tpu.memref_squeeze %dma_wait3A_174 : memref<1x40xi32, #tpu.memory_space<vmem>> -> memref<40xi32, #tpu.memory_space<vmem>>
    %dma_wait3A_176 = arith.constant 0 : i32
    %dma_wait3A_177 = arith.constant 0 : i32
    %dma_wait3A_178 = tpu.memref_slice %arg16[%dma_wait3A_176, %dma_wait3A_177] : memref<10240x128xf32, #tpu.memory_space<vmem_shared>> -> memref<10240x128xf32, #tpu.memory_space<vmem_shared>>
    tpu.wait_indirect_dma semaphore(%arg23 : memref<!tpu.dma_semaphore, #tpu.memory_space<semaphore_mem>>) src(%arg14 : memref<40x128xf32, #tpu.memory_space<vmem>>) dst(%dma_wait3A_178 : memref<10240x128xf32, #tpu.memory_space<vmem_shared>>)
    %dma_wait3A_179 = arith.constant 254 : i32
    %dma_wait3A_180 = arith.constant 0 : i32
    %dma_wait3A_181 = tpu.memref_slice %arg11[%dma_wait3A_179, %dma_wait3A_180] : memref<256x40xi32, #tpu.memory_space<vmem>> -> memref<1x40xi32, #tpu.memory_space<vmem>>
    %dma_wait3A_182 = tpu.memref_squeeze %dma_wait3A_181 : memref<1x40xi32, #tpu.memory_space<vmem>> -> memref<40xi32, #tpu.memory_space<vmem>>
    %dma_wait3A_183 = arith.constant 0 : i32
    %dma_wait3A_184 = arith.constant 0 : i32
    %dma_wait3A_185 = tpu.memref_slice %arg26[%dma_wait3A_183, %dma_wait3A_184] : memref<10240x8xf32, #tpu.memory_space<vmem_shared>> -> memref<10240x8xf32, #tpu.memory_space<vmem_shared>>
    tpu.wait_indirect_dma semaphore(%arg29 : memref<!tpu.dma_semaphore, #tpu.memory_space<semaphore_mem>>) src(%arg25 : memref<40x8xf32, #tpu.memory_space<vmem>>) dst(%dma_wait3A_185 : memref<10240x8xf32, #tpu.memory_space<vmem_shared>>)
    %dma_wait3A_186 = arith.constant 255 : i32
    %dma_wait3A_187 = arith.constant 0 : i32
    %dma_wait3A_188 = tpu.memref_slice %arg11[%dma_wait3A_186, %dma_wait3A_187] : memref<256x40xi32, #tpu.memory_space<vmem>> -> memref<1x40xi32, #tpu.memory_space<vmem>>
    %dma_wait3A_189 = tpu.memref_squeeze %dma_wait3A_188 : memref<1x40xi32, #tpu.memory_space<vmem>> -> memref<40xi32, #tpu.memory_space<vmem>>
    %dma_wait3A_190 = arith.constant 0 : i32
    %dma_wait3A_191 = arith.constant 0 : i32
    %dma_wait3A_192 = tpu.memref_slice %arg16[%dma_wait3A_190, %dma_wait3A_191] : memref<10240x128xf32, #tpu.memory_space<vmem_shared>> -> memref<10240x128xf32, #tpu.memory_space<vmem_shared>>
    tpu.wait_indirect_dma semaphore(%arg24 : memref<!tpu.dma_semaphore, #tpu.memory_space<semaphore_mem>>) src(%arg15 : memref<40x128xf32, #tpu.memory_space<vmem>>) dst(%dma_wait3A_192 : memref<10240x128xf32, #tpu.memory_space<vmem_shared>>)
    %dma_wait3A_193 = arith.constant 255 : i32
    %dma_wait3A_194 = arith.constant 0 : i32
    %dma_wait3A_195 = tpu.memref_slice %arg11[%dma_wait3A_193, %dma_wait3A_194] : memref<256x40xi32, #tpu.memory_space<vmem>> -> memref<1x40xi32, #tpu.memory_space<vmem>>
    %dma_wait3A_196 = tpu.memref_squeeze %dma_wait3A_195 : memref<1x40xi32, #tpu.memory_space<vmem>> -> memref<40xi32, #tpu.memory_space<vmem>>
    %dma_wait3A_197 = arith.constant 0 : i32
    %dma_wait3A_198 = arith.constant 0 : i32
    %dma_wait3A_199 = tpu.memref_slice %arg26[%dma_wait3A_197, %dma_wait3A_198] : memref<10240x8xf32, #tpu.memory_space<vmem_shared>> -> memref<10240x8xf32, #tpu.memory_space<vmem_shared>>
    tpu.wait_indirect_dma semaphore(%arg30 : memref<!tpu.dma_semaphore, #tpu.memory_space<semaphore_mem>>) src(%arg25 : memref<40x8xf32, #tpu.memory_space<vmem>>) dst(%dma_wait3A_199 : memref<10240x8xf32, #tpu.memory_space<vmem_shared>>)
    %barrier3A_200 = arith.constant 0 : index
    tpu.barrier barrier_id(%barrier3A_200)
    %mul3A_201 = arith.constant 10240 : i32
    %mul3A_202 = arith.muli %arg0, %mul3A_201 : i32
    %add3A_203 = arith.addi %mul3A_202, %mul3A_0 : i32
    %dma_start3A_204 = arith.constant 0 : i32
    %dma_start3A_205 = tpu.memref_slice %arg8[%add3A_203, %dma_start3A_204] : memref<20480x128xf32, #tpu.memory_space<hbm>> -> memref<640x128xf32, #tpu.memory_space<hbm>>
    %dma_start3A_206 = arith.constant 0 : i32
    %dma_start3A_207 = tpu.memref_slice %arg16[%mul3A_0, %dma_start3A_206] : memref<10240x128xf32, #tpu.memory_space<vmem_shared>> -> memref<640x128xf32, #tpu.memory_space<vmem_shared>>
    tpu.enqueue_dma source(%dma_start3A_207 : memref<640x128xf32, #tpu.memory_space<vmem_shared>>) target(%dma_start3A_205 : memref<640x128xf32, #tpu.memory_space<hbm>>) target_semaphore(%arg17 : memref<!tpu.dma_semaphore, #tpu.memory_space<semaphore_mem>>)
    %mul3A_208 = arith.constant 10240 : i32
    %mul3A_209 = arith.muli %arg0, %mul3A_208 : i32
    %add3A_210 = arith.addi %mul3A_209, %mul3A_0 : i32
    %dma_start3A_211 = arith.constant 0 : i32
    %dma_start3A_212 = tpu.memref_slice %arg9[%add3A_210, %dma_start3A_211] : memref<20480x8xf32, #tpu.memory_space<hbm>> -> memref<640x8xf32, #tpu.memory_space<hbm>>
    %dma_start3A_213 = arith.constant 0 : i32
    %dma_start3A_214 = tpu.memref_slice %arg26[%mul3A_0, %dma_start3A_213] : memref<10240x8xf32, #tpu.memory_space<vmem_shared>> -> memref<640x8xf32, #tpu.memory_space<vmem_shared>>
    tpu.enqueue_dma source(%dma_start3A_214 : memref<640x8xf32, #tpu.memory_space<vmem_shared>>) target(%dma_start3A_212 : memref<640x8xf32, #tpu.memory_space<hbm>>) target_semaphore(%arg18 : memref<!tpu.dma_semaphore, #tpu.memory_space<semaphore_mem>>)
    %dma_wait3A_215 = arith.constant 0 : i32
    %dma_wait3A_216 = tpu.memref_slice %arg8[%add3A_203, %dma_wait3A_215] : memref<20480x128xf32, #tpu.memory_space<hbm>> -> memref<640x128xf32, #tpu.memory_space<hbm>>
    %dma_wait3A_217 = arith.constant 0 : i32
    %dma_wait3A_218 = tpu.memref_slice %arg16[%mul3A_0, %dma_wait3A_217] : memref<10240x128xf32, #tpu.memory_space<vmem_shared>> -> memref<640x128xf32, #tpu.memory_space<vmem_shared>>
    tpu.wait_dma2 semaphore(%arg17 : memref<!tpu.dma_semaphore, #tpu.memory_space<semaphore_mem>>) src(%dma_wait3A_218 : memref<640x128xf32, #tpu.memory_space<vmem_shared>>) dst(%dma_wait3A_216 : memref<640x128xf32, #tpu.memory_space<hbm>>)
    %dma_wait3A_219 = arith.constant 0 : i32
    %dma_wait3A_220 = tpu.memref_slice %arg9[%add3A_210, %dma_wait3A_219] : memref<20480x8xf32, #tpu.memory_space<hbm>> -> memref<640x8xf32, #tpu.memory_space<hbm>>
    %dma_wait3A_221 = arith.constant 0 : i32
    %dma_wait3A_222 = tpu.memref_slice %arg26[%mul3A_0, %dma_wait3A_221] : memref<10240x8xf32, #tpu.memory_space<vmem_shared>> -> memref<640x8xf32, #tpu.memory_space<vmem_shared>>
    tpu.wait_dma2 semaphore(%arg18 : memref<!tpu.dma_semaphore, #tpu.memory_space<semaphore_mem>>) src(%dma_wait3A_222 : memref<640x8xf32, #tpu.memory_space<vmem_shared>>) dst(%dma_wait3A_220 : memref<640x8xf32, #tpu.memory_space<hbm>>)
    return
  }
}

#map = affine_map<(d0, d1) -> (0, 0)>
module attributes {stable_mosaic.version = 14 : i64} {
  func.func @body(%arg0: i32, %arg1: i32, %arg2: memref<10000x128xf32, #tpu.memory_space<hbm>>, %arg3: memref<8192x40xi32, #tpu.memory_space<hbm>>, %arg4: memref<8192x40xi32, #tpu.memory_space<hbm>>, %arg5: memref<640x128xf32, #tpu.memory_space<hbm>>, %arg6: memref<20480x128xf32, #tpu.memory_space<hbm>>, %arg7: memref<256x40xi32, #tpu.memory_space<vmem>>, %arg8: memref<256x40xi32, #tpu.memory_space<vmem>>, %arg9: memref<40x128xf32, #tpu.memory_space<vmem>>, %arg10: memref<40x128xf32, #tpu.memory_space<vmem>>, %arg11: memref<40x128xf32, #tpu.memory_space<vmem>>, %arg12: memref<40x128xf32, #tpu.memory_space<vmem>>, %arg13: memref<10240x128xf32, #tpu.memory_space<vmem_shared>>, %arg14: memref<!tpu.dma_semaphore, #tpu.memory_space<semaphore_mem>>, %arg15: memref<!tpu.dma_semaphore, #tpu.memory_space<semaphore_mem>>, %arg16: memref<!tpu.dma_semaphore, #tpu.memory_space<semaphore_mem>>, %arg17: memref<!tpu.dma_semaphore, #tpu.memory_space<semaphore_mem>>, %arg18: memref<!tpu.dma_semaphore, #tpu.memory_space<semaphore_mem>>, %arg19: memref<!tpu.dma_semaphore, #tpu.memory_space<semaphore_mem>>, %arg20: memref<!tpu.dma_semaphore, #tpu.memory_space<semaphore_mem>>, %arg21: memref<!tpu.dma_semaphore, #tpu.memory_space<semaphore_mem>>) attributes {dimension_semantics = [#tpu.dimension_semantics<core_parallel>, #tpu.dimension_semantics<subcore_parallel>], iteration_bounds = array<i64: 2, 16>, scalar_prefetch = 0 : i64, scratch_operands = 15 : i64, tpu.core_type = #tpu.core_type<sc_vector_subcore>, window_params = [{transform_indices = #map}, {transform_indices = #map}, {transform_indices = #map}, {transform_indices = #map}, {transform_indices = #map}]} {
    %mul3A = arith.constant 640 : i32
    %mul3A_0 = arith.muli %arg1, %mul3A : i32
    %mul3A_1 = arith.constant 4096 : i32
    %mul3A_2 = arith.muli %arg0, %mul3A_1 : i32
    %mul3A_3 = arith.constant 256 : i32
    %mul3A_4 = arith.muli %arg1, %mul3A_3 : i32
    %add3A = arith.addi %mul3A_2, %mul3A_4 : i32
    %dma_start3A = arith.constant 0 : i32
    %dma_start3A_5 = tpu.memref_slice %arg3[%add3A, %dma_start3A] : memref<8192x40xi32, #tpu.memory_space<hbm>> -> memref<256x40xi32, #tpu.memory_space<hbm>>
    %dma_start3A_6 = arith.constant 0 : i32
    %dma_start3A_7 = tpu.memref_slice %arg3[%add3A, %dma_start3A_6] : memref<8192x40xi32, #tpu.memory_space<hbm>> -> memref<256x40xi32, #tpu.memory_space<hbm>>
    tpu.enqueue_dma source(%dma_start3A_7 : memref<256x40xi32, #tpu.memory_space<hbm>>) target(%arg7 : memref<256x40xi32, #tpu.memory_space<vmem>>) target_semaphore(%arg14 : memref<!tpu.dma_semaphore, #tpu.memory_space<semaphore_mem>>)
    %dma_start3A_8 = arith.constant 0 : i32
    %dma_start3A_9 = tpu.memref_slice %arg4[%add3A, %dma_start3A_8] : memref<8192x40xi32, #tpu.memory_space<hbm>> -> memref<256x40xi32, #tpu.memory_space<hbm>>
    %dma_start3A_10 = arith.constant 0 : i32
    %dma_start3A_11 = tpu.memref_slice %arg4[%add3A, %dma_start3A_10] : memref<8192x40xi32, #tpu.memory_space<hbm>> -> memref<256x40xi32, #tpu.memory_space<hbm>>
    tpu.enqueue_dma source(%dma_start3A_11 : memref<256x40xi32, #tpu.memory_space<hbm>>) target(%arg8 : memref<256x40xi32, #tpu.memory_space<vmem>>) target_semaphore(%arg15 : memref<!tpu.dma_semaphore, #tpu.memory_space<semaphore_mem>>)
    %dma_start3A_12 = arith.constant 0 : i32
    %dma_start3A_13 = tpu.memref_slice %arg13[%mul3A_0, %dma_start3A_12] : memref<10240x128xf32, #tpu.memory_space<vmem_shared>> -> memref<640x128xf32, #tpu.memory_space<vmem_shared>>
    tpu.enqueue_dma source(%arg5 : memref<640x128xf32, #tpu.memory_space<hbm>>) target(%dma_start3A_13 : memref<640x128xf32, #tpu.memory_space<vmem_shared>>) target_semaphore(%arg18 : memref<!tpu.dma_semaphore, #tpu.memory_space<semaphore_mem>>)
    %dma_wait3A = arith.constant 0 : i32
    %dma_wait3A_14 = tpu.memref_slice %arg3[%add3A, %dma_wait3A] : memref<8192x40xi32, #tpu.memory_space<hbm>> -> memref<256x40xi32, #tpu.memory_space<hbm>>
    %dma_wait3A_15 = arith.constant 0 : i32
    %dma_wait3A_16 = tpu.memref_slice %arg3[%add3A, %dma_wait3A_15] : memref<8192x40xi32, #tpu.memory_space<hbm>> -> memref<256x40xi32, #tpu.memory_space<hbm>>
    tpu.wait_dma2 semaphore(%arg14 : memref<!tpu.dma_semaphore, #tpu.memory_space<semaphore_mem>>) src(%dma_wait3A_16 : memref<256x40xi32, #tpu.memory_space<hbm>>) dst(%arg7 : memref<256x40xi32, #tpu.memory_space<vmem>>)
    %dma_wait3A_17 = arith.constant 0 : i32
    %dma_wait3A_18 = tpu.memref_slice %arg4[%add3A, %dma_wait3A_17] : memref<8192x40xi32, #tpu.memory_space<hbm>> -> memref<256x40xi32, #tpu.memory_space<hbm>>
    %dma_wait3A_19 = arith.constant 0 : i32
    %dma_wait3A_20 = tpu.memref_slice %arg4[%add3A, %dma_wait3A_19] : memref<8192x40xi32, #tpu.memory_space<hbm>> -> memref<256x40xi32, #tpu.memory_space<hbm>>
    tpu.wait_dma2 semaphore(%arg15 : memref<!tpu.dma_semaphore, #tpu.memory_space<semaphore_mem>>) src(%dma_wait3A_20 : memref<256x40xi32, #tpu.memory_space<hbm>>) dst(%arg8 : memref<256x40xi32, #tpu.memory_space<vmem>>)
    %dma_wait3A_21 = arith.constant 0 : i32
    %dma_wait3A_22 = tpu.memref_slice %arg13[%mul3A_0, %dma_wait3A_21] : memref<10240x128xf32, #tpu.memory_space<vmem_shared>> -> memref<640x128xf32, #tpu.memory_space<vmem_shared>>
    tpu.wait_dma2 semaphore(%arg18 : memref<!tpu.dma_semaphore, #tpu.memory_space<semaphore_mem>>) src(%arg5 : memref<640x128xf32, #tpu.memory_space<hbm>>) dst(%dma_wait3A_22 : memref<640x128xf32, #tpu.memory_space<vmem_shared>>)
    %barrier3A = arith.constant 0 : index
    tpu.barrier barrier_id(%barrier3A)
    %dma_start3A_23 = arith.constant 0 : i32
    %dma_start3A_24 = arith.constant 0 : i32
    %dma_start3A_25 = tpu.memref_slice %arg7[%dma_start3A_23, %dma_start3A_24] : memref<256x40xi32, #tpu.memory_space<vmem>> -> memref<1x40xi32, #tpu.memory_space<vmem>>
    %dma_start3A_26 = tpu.memref_squeeze %dma_start3A_25 : memref<1x40xi32, #tpu.memory_space<vmem>> -> memref<40xi32, #tpu.memory_space<vmem>>
    %dma_start3A_27 = arith.constant 0 : i32
    %dma_start3A_28 = arith.constant 0 : i32
    %dma_start3A_29 = tpu.memref_slice %arg2[%dma_start3A_27, %dma_start3A_28] : memref<10000x128xf32, #tpu.memory_space<hbm>> -> memref<10000x128xf32, #tpu.memory_space<hbm>>
    tpu.enqueue_indirect_dma source(%dma_start3A_29 : memref<10000x128xf32, #tpu.memory_space<hbm>>) target(%arg9 : memref<40x128xf32, #tpu.memory_space<vmem>>) offsets(%dma_start3A_26 : memref<40xi32, #tpu.memory_space<vmem>>) semaphore(%arg14 : memref<!tpu.dma_semaphore, #tpu.memory_space<semaphore_mem>>)
    %dma_start3A_30 = arith.constant 1 : i32
    %dma_start3A_31 = arith.constant 0 : i32
    %dma_start3A_32 = tpu.memref_slice %arg7[%dma_start3A_30, %dma_start3A_31] : memref<256x40xi32, #tpu.memory_space<vmem>> -> memref<1x40xi32, #tpu.memory_space<vmem>>
    %dma_start3A_33 = tpu.memref_squeeze %dma_start3A_32 : memref<1x40xi32, #tpu.memory_space<vmem>> -> memref<40xi32, #tpu.memory_space<vmem>>
    %dma_start3A_34 = arith.constant 0 : i32
    %dma_start3A_35 = arith.constant 0 : i32
    %dma_start3A_36 = tpu.memref_slice %arg2[%dma_start3A_34, %dma_start3A_35] : memref<10000x128xf32, #tpu.memory_space<hbm>> -> memref<10000x128xf32, #tpu.memory_space<hbm>>
    tpu.enqueue_indirect_dma source(%dma_start3A_36 : memref<10000x128xf32, #tpu.memory_space<hbm>>) target(%arg10 : memref<40x128xf32, #tpu.memory_space<vmem>>) offsets(%dma_start3A_33 : memref<40xi32, #tpu.memory_space<vmem>>) semaphore(%arg15 : memref<!tpu.dma_semaphore, #tpu.memory_space<semaphore_mem>>)
    %dma_start3A_37 = arith.constant 2 : i32
    %dma_start3A_38 = arith.constant 0 : i32
    %dma_start3A_39 = tpu.memref_slice %arg7[%dma_start3A_37, %dma_start3A_38] : memref<256x40xi32, #tpu.memory_space<vmem>> -> memref<1x40xi32, #tpu.memory_space<vmem>>
    %dma_start3A_40 = tpu.memref_squeeze %dma_start3A_39 : memref<1x40xi32, #tpu.memory_space<vmem>> -> memref<40xi32, #tpu.memory_space<vmem>>
    %dma_start3A_41 = arith.constant 0 : i32
    %dma_start3A_42 = arith.constant 0 : i32
    %dma_start3A_43 = tpu.memref_slice %arg2[%dma_start3A_41, %dma_start3A_42] : memref<10000x128xf32, #tpu.memory_space<hbm>> -> memref<10000x128xf32, #tpu.memory_space<hbm>>
    tpu.enqueue_indirect_dma source(%dma_start3A_43 : memref<10000x128xf32, #tpu.memory_space<hbm>>) target(%arg11 : memref<40x128xf32, #tpu.memory_space<vmem>>) offsets(%dma_start3A_40 : memref<40xi32, #tpu.memory_space<vmem>>) semaphore(%arg16 : memref<!tpu.dma_semaphore, #tpu.memory_space<semaphore_mem>>)
    %dma_start3A_44 = arith.constant 3 : i32
    %dma_start3A_45 = arith.constant 0 : i32
    %dma_start3A_46 = tpu.memref_slice %arg7[%dma_start3A_44, %dma_start3A_45] : memref<256x40xi32, #tpu.memory_space<vmem>> -> memref<1x40xi32, #tpu.memory_space<vmem>>
    %dma_start3A_47 = tpu.memref_squeeze %dma_start3A_46 : memref<1x40xi32, #tpu.memory_space<vmem>> -> memref<40xi32, #tpu.memory_space<vmem>>
    %dma_start3A_48 = arith.constant 0 : i32
    %dma_start3A_49 = arith.constant 0 : i32
    %dma_start3A_50 = tpu.memref_slice %arg2[%dma_start3A_48, %dma_start3A_49] : memref<10000x128xf32, #tpu.memory_space<hbm>> -> memref<10000x128xf32, #tpu.memory_space<hbm>>
    tpu.enqueue_indirect_dma source(%dma_start3A_50 : memref<10000x128xf32, #tpu.memory_space<hbm>>) target(%arg12 : memref<40x128xf32, #tpu.memory_space<vmem>>) offsets(%dma_start3A_47 : memref<40xi32, #tpu.memory_space<vmem>>) semaphore(%arg17 : memref<!tpu.dma_semaphore, #tpu.memory_space<semaphore_mem>>)
    %scan3A = arith.constant 0 : i32
    %scan3A_51 = arith.constant 0 : i32
    %scan3A_52 = arith.constant 63 : i32
    %scan3A_53 = arith.addi %scan3A_51, %scan3A_52 : i32
    %scan3A_54 = arith.constant 1 : i32
    scf.for %scan3A_152 = %scan3A_51 to %scan3A_53 step %scan3A_54  : i32 {
      %mul3A_153 = arith.constant 4 : i32
      %mul3A_154 = arith.muli %scan3A_152, %mul3A_153 : i32
      %add3A_155 = arith.constant 0 : i32
      %add3A_156 = arith.addi %mul3A_154, %add3A_155 : i32
      %dma_wait3A_157 = arith.constant 0 : i32
      %dma_wait3A_158 = tpu.memref_slice %arg7[%add3A_156, %dma_wait3A_157] : memref<256x40xi32, #tpu.memory_space<vmem>> -> memref<1x40xi32, #tpu.memory_space<vmem>>
      %dma_wait3A_159 = tpu.memref_squeeze %dma_wait3A_158 : memref<1x40xi32, #tpu.memory_space<vmem>> -> memref<40xi32, #tpu.memory_space<vmem>>
      %dma_wait3A_160 = arith.constant 0 : i32
      %dma_wait3A_161 = arith.constant 0 : i32
      %dma_wait3A_162 = tpu.memref_slice %arg2[%dma_wait3A_160, %dma_wait3A_161] : memref<10000x128xf32, #tpu.memory_space<hbm>> -> memref<10000x128xf32, #tpu.memory_space<hbm>>
      tpu.wait_indirect_dma semaphore(%arg14 : memref<!tpu.dma_semaphore, #tpu.memory_space<semaphore_mem>>) src(%dma_wait3A_162 : memref<10000x128xf32, #tpu.memory_space<hbm>>) dst(%arg9 : memref<40x128xf32, #tpu.memory_space<vmem>>)
      %add3A_163 = arith.constant 0 : i32
      %add3A_164 = arith.addi %mul3A_154, %add3A_163 : i32
      %dma_start3A_165 = arith.constant 0 : i32
      %dma_start3A_166 = tpu.memref_slice %arg8[%add3A_164, %dma_start3A_165] : memref<256x40xi32, #tpu.memory_space<vmem>> -> memref<1x40xi32, #tpu.memory_space<vmem>>
      %dma_start3A_167 = tpu.memref_squeeze %dma_start3A_166 : memref<1x40xi32, #tpu.memory_space<vmem>> -> memref<40xi32, #tpu.memory_space<vmem>>
      %dma_start3A_168 = arith.constant 0 : i32
      %dma_start3A_169 = arith.constant 0 : i32
      %dma_start3A_170 = tpu.memref_slice %arg13[%dma_start3A_168, %dma_start3A_169] : memref<10240x128xf32, #tpu.memory_space<vmem_shared>> -> memref<10240x128xf32, #tpu.memory_space<vmem_shared>>
      tpu.enqueue_indirect_dma source(%arg9 : memref<40x128xf32, #tpu.memory_space<vmem>>) target(%dma_start3A_170 : memref<10240x128xf32, #tpu.memory_space<vmem_shared>>) offsets(%dma_start3A_167 : memref<40xi32, #tpu.memory_space<vmem>>) semaphore(%arg18 : memref<!tpu.dma_semaphore, #tpu.memory_space<semaphore_mem>>) {add = true}
      %add3A_171 = arith.constant 1 : i32
      %add3A_172 = arith.addi %mul3A_154, %add3A_171 : i32
      %dma_wait3A_173 = arith.constant 0 : i32
      %dma_wait3A_174 = tpu.memref_slice %arg7[%add3A_172, %dma_wait3A_173] : memref<256x40xi32, #tpu.memory_space<vmem>> -> memref<1x40xi32, #tpu.memory_space<vmem>>
      %dma_wait3A_175 = tpu.memref_squeeze %dma_wait3A_174 : memref<1x40xi32, #tpu.memory_space<vmem>> -> memref<40xi32, #tpu.memory_space<vmem>>
      %dma_wait3A_176 = arith.constant 0 : i32
      %dma_wait3A_177 = arith.constant 0 : i32
      %dma_wait3A_178 = tpu.memref_slice %arg2[%dma_wait3A_176, %dma_wait3A_177] : memref<10000x128xf32, #tpu.memory_space<hbm>> -> memref<10000x128xf32, #tpu.memory_space<hbm>>
      tpu.wait_indirect_dma semaphore(%arg15 : memref<!tpu.dma_semaphore, #tpu.memory_space<semaphore_mem>>) src(%dma_wait3A_178 : memref<10000x128xf32, #tpu.memory_space<hbm>>) dst(%arg10 : memref<40x128xf32, #tpu.memory_space<vmem>>)
      %add3A_179 = arith.constant 1 : i32
      %add3A_180 = arith.addi %mul3A_154, %add3A_179 : i32
      %dma_start3A_181 = arith.constant 0 : i32
      %dma_start3A_182 = tpu.memref_slice %arg8[%add3A_180, %dma_start3A_181] : memref<256x40xi32, #tpu.memory_space<vmem>> -> memref<1x40xi32, #tpu.memory_space<vmem>>
      %dma_start3A_183 = tpu.memref_squeeze %dma_start3A_182 : memref<1x40xi32, #tpu.memory_space<vmem>> -> memref<40xi32, #tpu.memory_space<vmem>>
      %dma_start3A_184 = arith.constant 0 : i32
      %dma_start3A_185 = arith.constant 0 : i32
      %dma_start3A_186 = tpu.memref_slice %arg13[%dma_start3A_184, %dma_start3A_185] : memref<10240x128xf32, #tpu.memory_space<vmem_shared>> -> memref<10240x128xf32, #tpu.memory_space<vmem_shared>>
      tpu.enqueue_indirect_dma source(%arg10 : memref<40x128xf32, #tpu.memory_space<vmem>>) target(%dma_start3A_186 : memref<10240x128xf32, #tpu.memory_space<vmem_shared>>) offsets(%dma_start3A_183 : memref<40xi32, #tpu.memory_space<vmem>>) semaphore(%arg19 : memref<!tpu.dma_semaphore, #tpu.memory_space<semaphore_mem>>) {add = true}
      %add3A_187 = arith.constant 2 : i32
      %add3A_188 = arith.addi %mul3A_154, %add3A_187 : i32
      %dma_wait3A_189 = arith.constant 0 : i32
      %dma_wait3A_190 = tpu.memref_slice %arg7[%add3A_188, %dma_wait3A_189] : memref<256x40xi32, #tpu.memory_space<vmem>> -> memref<1x40xi32, #tpu.memory_space<vmem>>
      %dma_wait3A_191 = tpu.memref_squeeze %dma_wait3A_190 : memref<1x40xi32, #tpu.memory_space<vmem>> -> memref<40xi32, #tpu.memory_space<vmem>>
      %dma_wait3A_192 = arith.constant 0 : i32
      %dma_wait3A_193 = arith.constant 0 : i32
      %dma_wait3A_194 = tpu.memref_slice %arg2[%dma_wait3A_192, %dma_wait3A_193] : memref<10000x128xf32, #tpu.memory_space<hbm>> -> memref<10000x128xf32, #tpu.memory_space<hbm>>
      tpu.wait_indirect_dma semaphore(%arg16 : memref<!tpu.dma_semaphore, #tpu.memory_space<semaphore_mem>>) src(%dma_wait3A_194 : memref<10000x128xf32, #tpu.memory_space<hbm>>) dst(%arg11 : memref<40x128xf32, #tpu.memory_space<vmem>>)
      %add3A_195 = arith.constant 2 : i32
      %add3A_196 = arith.addi %mul3A_154, %add3A_195 : i32
      %dma_start3A_197 = arith.constant 0 : i32
      %dma_start3A_198 = tpu.memref_slice %arg8[%add3A_196, %dma_start3A_197] : memref<256x40xi32, #tpu.memory_space<vmem>> -> memref<1x40xi32, #tpu.memory_space<vmem>>
      %dma_start3A_199 = tpu.memref_squeeze %dma_start3A_198 : memref<1x40xi32, #tpu.memory_space<vmem>> -> memref<40xi32, #tpu.memory_space<vmem>>
      %dma_start3A_200 = arith.constant 0 : i32
      %dma_start3A_201 = arith.constant 0 : i32
      %dma_start3A_202 = tpu.memref_slice %arg13[%dma_start3A_200, %dma_start3A_201] : memref<10240x128xf32, #tpu.memory_space<vmem_shared>> -> memref<10240x128xf32, #tpu.memory_space<vmem_shared>>
      tpu.enqueue_indirect_dma source(%arg11 : memref<40x128xf32, #tpu.memory_space<vmem>>) target(%dma_start3A_202 : memref<10240x128xf32, #tpu.memory_space<vmem_shared>>) offsets(%dma_start3A_199 : memref<40xi32, #tpu.memory_space<vmem>>) semaphore(%arg20 : memref<!tpu.dma_semaphore, #tpu.memory_space<semaphore_mem>>) {add = true}
      %add3A_203 = arith.constant 3 : i32
      %add3A_204 = arith.addi %mul3A_154, %add3A_203 : i32
      %dma_wait3A_205 = arith.constant 0 : i32
      %dma_wait3A_206 = tpu.memref_slice %arg7[%add3A_204, %dma_wait3A_205] : memref<256x40xi32, #tpu.memory_space<vmem>> -> memref<1x40xi32, #tpu.memory_space<vmem>>
      %dma_wait3A_207 = tpu.memref_squeeze %dma_wait3A_206 : memref<1x40xi32, #tpu.memory_space<vmem>> -> memref<40xi32, #tpu.memory_space<vmem>>
      %dma_wait3A_208 = arith.constant 0 : i32
      %dma_wait3A_209 = arith.constant 0 : i32
      %dma_wait3A_210 = tpu.memref_slice %arg2[%dma_wait3A_208, %dma_wait3A_209] : memref<10000x128xf32, #tpu.memory_space<hbm>> -> memref<10000x128xf32, #tpu.memory_space<hbm>>
      tpu.wait_indirect_dma semaphore(%arg17 : memref<!tpu.dma_semaphore, #tpu.memory_space<semaphore_mem>>) src(%dma_wait3A_210 : memref<10000x128xf32, #tpu.memory_space<hbm>>) dst(%arg12 : memref<40x128xf32, #tpu.memory_space<vmem>>)
      %add3A_211 = arith.constant 3 : i32
      %add3A_212 = arith.addi %mul3A_154, %add3A_211 : i32
      %dma_start3A_213 = arith.constant 0 : i32
      %dma_start3A_214 = tpu.memref_slice %arg8[%add3A_212, %dma_start3A_213] : memref<256x40xi32, #tpu.memory_space<vmem>> -> memref<1x40xi32, #tpu.memory_space<vmem>>
      %dma_start3A_215 = tpu.memref_squeeze %dma_start3A_214 : memref<1x40xi32, #tpu.memory_space<vmem>> -> memref<40xi32, #tpu.memory_space<vmem>>
      %dma_start3A_216 = arith.constant 0 : i32
      %dma_start3A_217 = arith.constant 0 : i32
      %dma_start3A_218 = tpu.memref_slice %arg13[%dma_start3A_216, %dma_start3A_217] : memref<10240x128xf32, #tpu.memory_space<vmem_shared>> -> memref<10240x128xf32, #tpu.memory_space<vmem_shared>>
      tpu.enqueue_indirect_dma source(%arg12 : memref<40x128xf32, #tpu.memory_space<vmem>>) target(%dma_start3A_218 : memref<10240x128xf32, #tpu.memory_space<vmem_shared>>) offsets(%dma_start3A_215 : memref<40xi32, #tpu.memory_space<vmem>>) semaphore(%arg21 : memref<!tpu.dma_semaphore, #tpu.memory_space<semaphore_mem>>) {add = true}
      %add3A_219 = arith.constant 0 : i32
      %add3A_220 = arith.addi %mul3A_154, %add3A_219 : i32
      %dma_wait3A_221 = arith.constant 0 : i32
      %dma_wait3A_222 = tpu.memref_slice %arg8[%add3A_220, %dma_wait3A_221] : memref<256x40xi32, #tpu.memory_space<vmem>> -> memref<1x40xi32, #tpu.memory_space<vmem>>
      %dma_wait3A_223 = tpu.memref_squeeze %dma_wait3A_222 : memref<1x40xi32, #tpu.memory_space<vmem>> -> memref<40xi32, #tpu.memory_space<vmem>>
      %dma_wait3A_224 = arith.constant 0 : i32
      %dma_wait3A_225 = arith.constant 0 : i32
      %dma_wait3A_226 = tpu.memref_slice %arg13[%dma_wait3A_224, %dma_wait3A_225] : memref<10240x128xf32, #tpu.memory_space<vmem_shared>> -> memref<10240x128xf32, #tpu.memory_space<vmem_shared>>
      tpu.wait_indirect_dma semaphore(%arg18 : memref<!tpu.dma_semaphore, #tpu.memory_space<semaphore_mem>>) src(%arg9 : memref<40x128xf32, #tpu.memory_space<vmem>>) dst(%dma_wait3A_226 : memref<10240x128xf32, #tpu.memory_space<vmem_shared>>)
      %add3A_227 = arith.constant 4 : i32
      %add3A_228 = arith.addi %mul3A_154, %add3A_227 : i32
      %add3A_229 = arith.constant 0 : i32
      %add3A_230 = arith.addi %add3A_228, %add3A_229 : i32
      %dma_start3A_231 = arith.constant 0 : i32
      %dma_start3A_232 = tpu.memref_slice %arg7[%add3A_230, %dma_start3A_231] : memref<256x40xi32, #tpu.memory_space<vmem>> -> memref<1x40xi32, #tpu.memory_space<vmem>>
      %dma_start3A_233 = tpu.memref_squeeze %dma_start3A_232 : memref<1x40xi32, #tpu.memory_space<vmem>> -> memref<40xi32, #tpu.memory_space<vmem>>
      %dma_start3A_234 = arith.constant 0 : i32
      %dma_start3A_235 = arith.constant 0 : i32
      %dma_start3A_236 = tpu.memref_slice %arg2[%dma_start3A_234, %dma_start3A_235] : memref<10000x128xf32, #tpu.memory_space<hbm>> -> memref<10000x128xf32, #tpu.memory_space<hbm>>
      tpu.enqueue_indirect_dma source(%dma_start3A_236 : memref<10000x128xf32, #tpu.memory_space<hbm>>) target(%arg9 : memref<40x128xf32, #tpu.memory_space<vmem>>) offsets(%dma_start3A_233 : memref<40xi32, #tpu.memory_space<vmem>>) semaphore(%arg14 : memref<!tpu.dma_semaphore, #tpu.memory_space<semaphore_mem>>)
      %add3A_237 = arith.constant 1 : i32
      %add3A_238 = arith.addi %mul3A_154, %add3A_237 : i32
      %dma_wait3A_239 = arith.constant 0 : i32
      %dma_wait3A_240 = tpu.memref_slice %arg8[%add3A_238, %dma_wait3A_239] : memref<256x40xi32, #tpu.memory_space<vmem>> -> memref<1x40xi32, #tpu.memory_space<vmem>>
      %dma_wait3A_241 = tpu.memref_squeeze %dma_wait3A_240 : memref<1x40xi32, #tpu.memory_space<vmem>> -> memref<40xi32, #tpu.memory_space<vmem>>
      %dma_wait3A_242 = arith.constant 0 : i32
      %dma_wait3A_243 = arith.constant 0 : i32
      %dma_wait3A_244 = tpu.memref_slice %arg13[%dma_wait3A_242, %dma_wait3A_243] : memref<10240x128xf32, #tpu.memory_space<vmem_shared>> -> memref<10240x128xf32, #tpu.memory_space<vmem_shared>>
      tpu.wait_indirect_dma semaphore(%arg19 : memref<!tpu.dma_semaphore, #tpu.memory_space<semaphore_mem>>) src(%arg10 : memref<40x128xf32, #tpu.memory_space<vmem>>) dst(%dma_wait3A_244 : memref<10240x128xf32, #tpu.memory_space<vmem_shared>>)
      %add3A_245 = arith.constant 4 : i32
      %add3A_246 = arith.addi %mul3A_154, %add3A_245 : i32
      %add3A_247 = arith.constant 1 : i32
      %add3A_248 = arith.addi %add3A_246, %add3A_247 : i32
      %dma_start3A_249 = arith.constant 0 : i32
      %dma_start3A_250 = tpu.memref_slice %arg7[%add3A_248, %dma_start3A_249] : memref<256x40xi32, #tpu.memory_space<vmem>> -> memref<1x40xi32, #tpu.memory_space<vmem>>
      %dma_start3A_251 = tpu.memref_squeeze %dma_start3A_250 : memref<1x40xi32, #tpu.memory_space<vmem>> -> memref<40xi32, #tpu.memory_space<vmem>>
      %dma_start3A_252 = arith.constant 0 : i32
      %dma_start3A_253 = arith.constant 0 : i32
      %dma_start3A_254 = tpu.memref_slice %arg2[%dma_start3A_252, %dma_start3A_253] : memref<10000x128xf32, #tpu.memory_space<hbm>> -> memref<10000x128xf32, #tpu.memory_space<hbm>>
      tpu.enqueue_indirect_dma source(%dma_start3A_254 : memref<10000x128xf32, #tpu.memory_space<hbm>>) target(%arg10 : memref<40x128xf32, #tpu.memory_space<vmem>>) offsets(%dma_start3A_251 : memref<40xi32, #tpu.memory_space<vmem>>) semaphore(%arg15 : memref<!tpu.dma_semaphore, #tpu.memory_space<semaphore_mem>>)
      %add3A_255 = arith.constant 2 : i32
      %add3A_256 = arith.addi %mul3A_154, %add3A_255 : i32
      %dma_wait3A_257 = arith.constant 0 : i32
      %dma_wait3A_258 = tpu.memref_slice %arg8[%add3A_256, %dma_wait3A_257] : memref<256x40xi32, #tpu.memory_space<vmem>> -> memref<1x40xi32, #tpu.memory_space<vmem>>
      %dma_wait3A_259 = tpu.memref_squeeze %dma_wait3A_258 : memref<1x40xi32, #tpu.memory_space<vmem>> -> memref<40xi32, #tpu.memory_space<vmem>>
      %dma_wait3A_260 = arith.constant 0 : i32
      %dma_wait3A_261 = arith.constant 0 : i32
      %dma_wait3A_262 = tpu.memref_slice %arg13[%dma_wait3A_260, %dma_wait3A_261] : memref<10240x128xf32, #tpu.memory_space<vmem_shared>> -> memref<10240x128xf32, #tpu.memory_space<vmem_shared>>
      tpu.wait_indirect_dma semaphore(%arg20 : memref<!tpu.dma_semaphore, #tpu.memory_space<semaphore_mem>>) src(%arg11 : memref<40x128xf32, #tpu.memory_space<vmem>>) dst(%dma_wait3A_262 : memref<10240x128xf32, #tpu.memory_space<vmem_shared>>)
      %add3A_263 = arith.constant 4 : i32
      %add3A_264 = arith.addi %mul3A_154, %add3A_263 : i32
      %add3A_265 = arith.constant 2 : i32
      %add3A_266 = arith.addi %add3A_264, %add3A_265 : i32
      %dma_start3A_267 = arith.constant 0 : i32
      %dma_start3A_268 = tpu.memref_slice %arg7[%add3A_266, %dma_start3A_267] : memref<256x40xi32, #tpu.memory_space<vmem>> -> memref<1x40xi32, #tpu.memory_space<vmem>>
      %dma_start3A_269 = tpu.memref_squeeze %dma_start3A_268 : memref<1x40xi32, #tpu.memory_space<vmem>> -> memref<40xi32, #tpu.memory_space<vmem>>
      %dma_start3A_270 = arith.constant 0 : i32
      %dma_start3A_271 = arith.constant 0 : i32
      %dma_start3A_272 = tpu.memref_slice %arg2[%dma_start3A_270, %dma_start3A_271] : memref<10000x128xf32, #tpu.memory_space<hbm>> -> memref<10000x128xf32, #tpu.memory_space<hbm>>
      tpu.enqueue_indirect_dma source(%dma_start3A_272 : memref<10000x128xf32, #tpu.memory_space<hbm>>) target(%arg11 : memref<40x128xf32, #tpu.memory_space<vmem>>) offsets(%dma_start3A_269 : memref<40xi32, #tpu.memory_space<vmem>>) semaphore(%arg16 : memref<!tpu.dma_semaphore, #tpu.memory_space<semaphore_mem>>)
      %add3A_273 = arith.constant 3 : i32
      %add3A_274 = arith.addi %mul3A_154, %add3A_273 : i32
      %dma_wait3A_275 = arith.constant 0 : i32
      %dma_wait3A_276 = tpu.memref_slice %arg8[%add3A_274, %dma_wait3A_275] : memref<256x40xi32, #tpu.memory_space<vmem>> -> memref<1x40xi32, #tpu.memory_space<vmem>>
      %dma_wait3A_277 = tpu.memref_squeeze %dma_wait3A_276 : memref<1x40xi32, #tpu.memory_space<vmem>> -> memref<40xi32, #tpu.memory_space<vmem>>
      %dma_wait3A_278 = arith.constant 0 : i32
      %dma_wait3A_279 = arith.constant 0 : i32
      %dma_wait3A_280 = tpu.memref_slice %arg13[%dma_wait3A_278, %dma_wait3A_279] : memref<10240x128xf32, #tpu.memory_space<vmem_shared>> -> memref<10240x128xf32, #tpu.memory_space<vmem_shared>>
      tpu.wait_indirect_dma semaphore(%arg21 : memref<!tpu.dma_semaphore, #tpu.memory_space<semaphore_mem>>) src(%arg12 : memref<40x128xf32, #tpu.memory_space<vmem>>) dst(%dma_wait3A_280 : memref<10240x128xf32, #tpu.memory_space<vmem_shared>>)
      %add3A_281 = arith.constant 4 : i32
      %add3A_282 = arith.addi %mul3A_154, %add3A_281 : i32
      %add3A_283 = arith.constant 3 : i32
      %add3A_284 = arith.addi %add3A_282, %add3A_283 : i32
      %dma_start3A_285 = arith.constant 0 : i32
      %dma_start3A_286 = tpu.memref_slice %arg7[%add3A_284, %dma_start3A_285] : memref<256x40xi32, #tpu.memory_space<vmem>> -> memref<1x40xi32, #tpu.memory_space<vmem>>
      %dma_start3A_287 = tpu.memref_squeeze %dma_start3A_286 : memref<1x40xi32, #tpu.memory_space<vmem>> -> memref<40xi32, #tpu.memory_space<vmem>>
      %dma_start3A_288 = arith.constant 0 : i32
      %dma_start3A_289 = arith.constant 0 : i32
      %dma_start3A_290 = tpu.memref_slice %arg2[%dma_start3A_288, %dma_start3A_289] : memref<10000x128xf32, #tpu.memory_space<hbm>> -> memref<10000x128xf32, #tpu.memory_space<hbm>>
      tpu.enqueue_indirect_dma source(%dma_start3A_290 : memref<10000x128xf32, #tpu.memory_space<hbm>>) target(%arg12 : memref<40x128xf32, #tpu.memory_space<vmem>>) offsets(%dma_start3A_287 : memref<40xi32, #tpu.memory_space<vmem>>) semaphore(%arg17 : memref<!tpu.dma_semaphore, #tpu.memory_space<semaphore_mem>>)
    }
    %scan3A_55 = arith.constant 63 : i32
    %dma_wait3A_56 = arith.constant 252 : i32
    %dma_wait3A_57 = arith.constant 0 : i32
    %dma_wait3A_58 = tpu.memref_slice %arg7[%dma_wait3A_56, %dma_wait3A_57] : memref<256x40xi32, #tpu.memory_space<vmem>> -> memref<1x40xi32, #tpu.memory_space<vmem>>
    %dma_wait3A_59 = tpu.memref_squeeze %dma_wait3A_58 : memref<1x40xi32, #tpu.memory_space<vmem>> -> memref<40xi32, #tpu.memory_space<vmem>>
    %dma_wait3A_60 = arith.constant 0 : i32
    %dma_wait3A_61 = arith.constant 0 : i32
    %dma_wait3A_62 = tpu.memref_slice %arg2[%dma_wait3A_60, %dma_wait3A_61] : memref<10000x128xf32, #tpu.memory_space<hbm>> -> memref<10000x128xf32, #tpu.memory_space<hbm>>
    tpu.wait_indirect_dma semaphore(%arg14 : memref<!tpu.dma_semaphore, #tpu.memory_space<semaphore_mem>>) src(%dma_wait3A_62 : memref<10000x128xf32, #tpu.memory_space<hbm>>) dst(%arg9 : memref<40x128xf32, #tpu.memory_space<vmem>>)
    %dma_start3A_63 = arith.constant 252 : i32
    %dma_start3A_64 = arith.constant 0 : i32
    %dma_start3A_65 = tpu.memref_slice %arg8[%dma_start3A_63, %dma_start3A_64] : memref<256x40xi32, #tpu.memory_space<vmem>> -> memref<1x40xi32, #tpu.memory_space<vmem>>
    %dma_start3A_66 = tpu.memref_squeeze %dma_start3A_65 : memref<1x40xi32, #tpu.memory_space<vmem>> -> memref<40xi32, #tpu.memory_space<vmem>>
    %dma_start3A_67 = arith.constant 0 : i32
    %dma_start3A_68 = arith.constant 0 : i32
    %dma_start3A_69 = tpu.memref_slice %arg13[%dma_start3A_67, %dma_start3A_68] : memref<10240x128xf32, #tpu.memory_space<vmem_shared>> -> memref<10240x128xf32, #tpu.memory_space<vmem_shared>>
    tpu.enqueue_indirect_dma source(%arg9 : memref<40x128xf32, #tpu.memory_space<vmem>>) target(%dma_start3A_69 : memref<10240x128xf32, #tpu.memory_space<vmem_shared>>) offsets(%dma_start3A_66 : memref<40xi32, #tpu.memory_space<vmem>>) semaphore(%arg18 : memref<!tpu.dma_semaphore, #tpu.memory_space<semaphore_mem>>) {add = true}
    %dma_wait3A_70 = arith.constant 253 : i32
    %dma_wait3A_71 = arith.constant 0 : i32
    %dma_wait3A_72 = tpu.memref_slice %arg7[%dma_wait3A_70, %dma_wait3A_71] : memref<256x40xi32, #tpu.memory_space<vmem>> -> memref<1x40xi32, #tpu.memory_space<vmem>>
    %dma_wait3A_73 = tpu.memref_squeeze %dma_wait3A_72 : memref<1x40xi32, #tpu.memory_space<vmem>> -> memref<40xi32, #tpu.memory_space<vmem>>
    %dma_wait3A_74 = arith.constant 0 : i32
    %dma_wait3A_75 = arith.constant 0 : i32
    %dma_wait3A_76 = tpu.memref_slice %arg2[%dma_wait3A_74, %dma_wait3A_75] : memref<10000x128xf32, #tpu.memory_space<hbm>> -> memref<10000x128xf32, #tpu.memory_space<hbm>>
    tpu.wait_indirect_dma semaphore(%arg15 : memref<!tpu.dma_semaphore, #tpu.memory_space<semaphore_mem>>) src(%dma_wait3A_76 : memref<10000x128xf32, #tpu.memory_space<hbm>>) dst(%arg10 : memref<40x128xf32, #tpu.memory_space<vmem>>)
    %dma_start3A_77 = arith.constant 253 : i32
    %dma_start3A_78 = arith.constant 0 : i32
    %dma_start3A_79 = tpu.memref_slice %arg8[%dma_start3A_77, %dma_start3A_78] : memref<256x40xi32, #tpu.memory_space<vmem>> -> memref<1x40xi32, #tpu.memory_space<vmem>>
    %dma_start3A_80 = tpu.memref_squeeze %dma_start3A_79 : memref<1x40xi32, #tpu.memory_space<vmem>> -> memref<40xi32, #tpu.memory_space<vmem>>
    %dma_start3A_81 = arith.constant 0 : i32
    %dma_start3A_82 = arith.constant 0 : i32
    %dma_start3A_83 = tpu.memref_slice %arg13[%dma_start3A_81, %dma_start3A_82] : memref<10240x128xf32, #tpu.memory_space<vmem_shared>> -> memref<10240x128xf32, #tpu.memory_space<vmem_shared>>
    tpu.enqueue_indirect_dma source(%arg10 : memref<40x128xf32, #tpu.memory_space<vmem>>) target(%dma_start3A_83 : memref<10240x128xf32, #tpu.memory_space<vmem_shared>>) offsets(%dma_start3A_80 : memref<40xi32, #tpu.memory_space<vmem>>) semaphore(%arg19 : memref<!tpu.dma_semaphore, #tpu.memory_space<semaphore_mem>>) {add = true}
    %dma_wait3A_84 = arith.constant 254 : i32
    %dma_wait3A_85 = arith.constant 0 : i32
    %dma_wait3A_86 = tpu.memref_slice %arg7[%dma_wait3A_84, %dma_wait3A_85] : memref<256x40xi32, #tpu.memory_space<vmem>> -> memref<1x40xi32, #tpu.memory_space<vmem>>
    %dma_wait3A_87 = tpu.memref_squeeze %dma_wait3A_86 : memref<1x40xi32, #tpu.memory_space<vmem>> -> memref<40xi32, #tpu.memory_space<vmem>>
    %dma_wait3A_88 = arith.constant 0 : i32
    %dma_wait3A_89 = arith.constant 0 : i32
    %dma_wait3A_90 = tpu.memref_slice %arg2[%dma_wait3A_88, %dma_wait3A_89] : memref<10000x128xf32, #tpu.memory_space<hbm>> -> memref<10000x128xf32, #tpu.memory_space<hbm>>
    tpu.wait_indirect_dma semaphore(%arg16 : memref<!tpu.dma_semaphore, #tpu.memory_space<semaphore_mem>>) src(%dma_wait3A_90 : memref<10000x128xf32, #tpu.memory_space<hbm>>) dst(%arg11 : memref<40x128xf32, #tpu.memory_space<vmem>>)
    %dma_start3A_91 = arith.constant 254 : i32
    %dma_start3A_92 = arith.constant 0 : i32
    %dma_start3A_93 = tpu.memref_slice %arg8[%dma_start3A_91, %dma_start3A_92] : memref<256x40xi32, #tpu.memory_space<vmem>> -> memref<1x40xi32, #tpu.memory_space<vmem>>
    %dma_start3A_94 = tpu.memref_squeeze %dma_start3A_93 : memref<1x40xi32, #tpu.memory_space<vmem>> -> memref<40xi32, #tpu.memory_space<vmem>>
    %dma_start3A_95 = arith.constant 0 : i32
    %dma_start3A_96 = arith.constant 0 : i32
    %dma_start3A_97 = tpu.memref_slice %arg13[%dma_start3A_95, %dma_start3A_96] : memref<10240x128xf32, #tpu.memory_space<vmem_shared>> -> memref<10240x128xf32, #tpu.memory_space<vmem_shared>>
    tpu.enqueue_indirect_dma source(%arg11 : memref<40x128xf32, #tpu.memory_space<vmem>>) target(%dma_start3A_97 : memref<10240x128xf32, #tpu.memory_space<vmem_shared>>) offsets(%dma_start3A_94 : memref<40xi32, #tpu.memory_space<vmem>>) semaphore(%arg20 : memref<!tpu.dma_semaphore, #tpu.memory_space<semaphore_mem>>) {add = true}
    %dma_wait3A_98 = arith.constant 255 : i32
    %dma_wait3A_99 = arith.constant 0 : i32
    %dma_wait3A_100 = tpu.memref_slice %arg7[%dma_wait3A_98, %dma_wait3A_99] : memref<256x40xi32, #tpu.memory_space<vmem>> -> memref<1x40xi32, #tpu.memory_space<vmem>>
    %dma_wait3A_101 = tpu.memref_squeeze %dma_wait3A_100 : memref<1x40xi32, #tpu.memory_space<vmem>> -> memref<40xi32, #tpu.memory_space<vmem>>
    %dma_wait3A_102 = arith.constant 0 : i32
    %dma_wait3A_103 = arith.constant 0 : i32
    %dma_wait3A_104 = tpu.memref_slice %arg2[%dma_wait3A_102, %dma_wait3A_103] : memref<10000x128xf32, #tpu.memory_space<hbm>> -> memref<10000x128xf32, #tpu.memory_space<hbm>>
    tpu.wait_indirect_dma semaphore(%arg17 : memref<!tpu.dma_semaphore, #tpu.memory_space<semaphore_mem>>) src(%dma_wait3A_104 : memref<10000x128xf32, #tpu.memory_space<hbm>>) dst(%arg12 : memref<40x128xf32, #tpu.memory_space<vmem>>)
    %dma_start3A_105 = arith.constant 255 : i32
    %dma_start3A_106 = arith.constant 0 : i32
    %dma_start3A_107 = tpu.memref_slice %arg8[%dma_start3A_105, %dma_start3A_106] : memref<256x40xi32, #tpu.memory_space<vmem>> -> memref<1x40xi32, #tpu.memory_space<vmem>>
    %dma_start3A_108 = tpu.memref_squeeze %dma_start3A_107 : memref<1x40xi32, #tpu.memory_space<vmem>> -> memref<40xi32, #tpu.memory_space<vmem>>
    %dma_start3A_109 = arith.constant 0 : i32
    %dma_start3A_110 = arith.constant 0 : i32
    %dma_start3A_111 = tpu.memref_slice %arg13[%dma_start3A_109, %dma_start3A_110] : memref<10240x128xf32, #tpu.memory_space<vmem_shared>> -> memref<10240x128xf32, #tpu.memory_space<vmem_shared>>
    tpu.enqueue_indirect_dma source(%arg12 : memref<40x128xf32, #tpu.memory_space<vmem>>) target(%dma_start3A_111 : memref<10240x128xf32, #tpu.memory_space<vmem_shared>>) offsets(%dma_start3A_108 : memref<40xi32, #tpu.memory_space<vmem>>) semaphore(%arg21 : memref<!tpu.dma_semaphore, #tpu.memory_space<semaphore_mem>>) {add = true}
    %dma_wait3A_112 = arith.constant 252 : i32
    %dma_wait3A_113 = arith.constant 0 : i32
    %dma_wait3A_114 = tpu.memref_slice %arg8[%dma_wait3A_112, %dma_wait3A_113] : memref<256x40xi32, #tpu.memory_space<vmem>> -> memref<1x40xi32, #tpu.memory_space<vmem>>
    %dma_wait3A_115 = tpu.memref_squeeze %dma_wait3A_114 : memref<1x40xi32, #tpu.memory_space<vmem>> -> memref<40xi32, #tpu.memory_space<vmem>>
    %dma_wait3A_116 = arith.constant 0 : i32
    %dma_wait3A_117 = arith.constant 0 : i32
    %dma_wait3A_118 = tpu.memref_slice %arg13[%dma_wait3A_116, %dma_wait3A_117] : memref<10240x128xf32, #tpu.memory_space<vmem_shared>> -> memref<10240x128xf32, #tpu.memory_space<vmem_shared>>
    tpu.wait_indirect_dma semaphore(%arg18 : memref<!tpu.dma_semaphore, #tpu.memory_space<semaphore_mem>>) src(%arg9 : memref<40x128xf32, #tpu.memory_space<vmem>>) dst(%dma_wait3A_118 : memref<10240x128xf32, #tpu.memory_space<vmem_shared>>)
    %dma_wait3A_119 = arith.constant 253 : i32
    %dma_wait3A_120 = arith.constant 0 : i32
    %dma_wait3A_121 = tpu.memref_slice %arg8[%dma_wait3A_119, %dma_wait3A_120] : memref<256x40xi32, #tpu.memory_space<vmem>> -> memref<1x40xi32, #tpu.memory_space<vmem>>
    %dma_wait3A_122 = tpu.memref_squeeze %dma_wait3A_121 : memref<1x40xi32, #tpu.memory_space<vmem>> -> memref<40xi32, #tpu.memory_space<vmem>>
    %dma_wait3A_123 = arith.constant 0 : i32
    %dma_wait3A_124 = arith.constant 0 : i32
    %dma_wait3A_125 = tpu.memref_slice %arg13[%dma_wait3A_123, %dma_wait3A_124] : memref<10240x128xf32, #tpu.memory_space<vmem_shared>> -> memref<10240x128xf32, #tpu.memory_space<vmem_shared>>
    tpu.wait_indirect_dma semaphore(%arg19 : memref<!tpu.dma_semaphore, #tpu.memory_space<semaphore_mem>>) src(%arg10 : memref<40x128xf32, #tpu.memory_space<vmem>>) dst(%dma_wait3A_125 : memref<10240x128xf32, #tpu.memory_space<vmem_shared>>)
    %dma_wait3A_126 = arith.constant 254 : i32
    %dma_wait3A_127 = arith.constant 0 : i32
    %dma_wait3A_128 = tpu.memref_slice %arg8[%dma_wait3A_126, %dma_wait3A_127] : memref<256x40xi32, #tpu.memory_space<vmem>> -> memref<1x40xi32, #tpu.memory_space<vmem>>
    %dma_wait3A_129 = tpu.memref_squeeze %dma_wait3A_128 : memref<1x40xi32, #tpu.memory_space<vmem>> -> memref<40xi32, #tpu.memory_space<vmem>>
    %dma_wait3A_130 = arith.constant 0 : i32
    %dma_wait3A_131 = arith.constant 0 : i32
    %dma_wait3A_132 = tpu.memref_slice %arg13[%dma_wait3A_130, %dma_wait3A_131] : memref<10240x128xf32, #tpu.memory_space<vmem_shared>> -> memref<10240x128xf32, #tpu.memory_space<vmem_shared>>
    tpu.wait_indirect_dma semaphore(%arg20 : memref<!tpu.dma_semaphore, #tpu.memory_space<semaphore_mem>>) src(%arg11 : memref<40x128xf32, #tpu.memory_space<vmem>>) dst(%dma_wait3A_132 : memref<10240x128xf32, #tpu.memory_space<vmem_shared>>)
    %dma_wait3A_133 = arith.constant 255 : i32
    %dma_wait3A_134 = arith.constant 0 : i32
    %dma_wait3A_135 = tpu.memref_slice %arg8[%dma_wait3A_133, %dma_wait3A_134] : memref<256x40xi32, #tpu.memory_space<vmem>> -> memref<1x40xi32, #tpu.memory_space<vmem>>
    %dma_wait3A_136 = tpu.memref_squeeze %dma_wait3A_135 : memref<1x40xi32, #tpu.memory_space<vmem>> -> memref<40xi32, #tpu.memory_space<vmem>>
    %dma_wait3A_137 = arith.constant 0 : i32
    %dma_wait3A_138 = arith.constant 0 : i32
    %dma_wait3A_139 = tpu.memref_slice %arg13[%dma_wait3A_137, %dma_wait3A_138] : memref<10240x128xf32, #tpu.memory_space<vmem_shared>> -> memref<10240x128xf32, #tpu.memory_space<vmem_shared>>
    tpu.wait_indirect_dma semaphore(%arg21 : memref<!tpu.dma_semaphore, #tpu.memory_space<semaphore_mem>>) src(%arg12 : memref<40x128xf32, #tpu.memory_space<vmem>>) dst(%dma_wait3A_139 : memref<10240x128xf32, #tpu.memory_space<vmem_shared>>)
    %barrier3A_140 = arith.constant 0 : index
    tpu.barrier barrier_id(%barrier3A_140)
    %mul3A_141 = arith.constant 10240 : i32
    %mul3A_142 = arith.muli %arg0, %mul3A_141 : i32
    %add3A_143 = arith.addi %mul3A_142, %mul3A_0 : i32
    %dma_start3A_144 = arith.constant 0 : i32
    %dma_start3A_145 = tpu.memref_slice %arg6[%add3A_143, %dma_start3A_144] : memref<20480x128xf32, #tpu.memory_space<hbm>> -> memref<640x128xf32, #tpu.memory_space<hbm>>
    %dma_start3A_146 = arith.constant 0 : i32
    %dma_start3A_147 = tpu.memref_slice %arg13[%mul3A_0, %dma_start3A_146] : memref<10240x128xf32, #tpu.memory_space<vmem_shared>> -> memref<640x128xf32, #tpu.memory_space<vmem_shared>>
    tpu.enqueue_dma source(%dma_start3A_147 : memref<640x128xf32, #tpu.memory_space<vmem_shared>>) target(%dma_start3A_145 : memref<640x128xf32, #tpu.memory_space<hbm>>) target_semaphore(%arg14 : memref<!tpu.dma_semaphore, #tpu.memory_space<semaphore_mem>>)
    %dma_wait3A_148 = arith.constant 0 : i32
    %dma_wait3A_149 = tpu.memref_slice %arg6[%add3A_143, %dma_wait3A_148] : memref<20480x128xf32, #tpu.memory_space<hbm>> -> memref<640x128xf32, #tpu.memory_space<hbm>>
    %dma_wait3A_150 = arith.constant 0 : i32
    %dma_wait3A_151 = tpu.memref_slice %arg13[%mul3A_0, %dma_wait3A_150] : memref<10240x128xf32, #tpu.memory_space<vmem_shared>> -> memref<640x128xf32, #tpu.memory_space<vmem_shared>>
    tpu.wait_dma2 semaphore(%arg14 : memref<!tpu.dma_semaphore, #tpu.memory_space<semaphore_mem>>) src(%dma_wait3A_151 : memref<640x128xf32, #tpu.memory_space<vmem_shared>>) dst(%dma_wait3A_149 : memref<640x128xf32, #tpu.memory_space<hbm>>)
    return
  }
}

module attributes {stable_mosaic.version = 14 : i64} {
  func.func @_l1_body(%arg0: i32, %arg1: memref<5000x128xf32, #tpu.memory_space<vmem>>, %arg2: memref<5000x128xf32, #tpu.memory_space<vmem>>, %arg3: memref<5000x128xf32, #tpu.memory_space<vmem>>, %arg4: memref<5000x8xf32, #tpu.memory_space<vmem>>, %arg5: memref<5000x8xf32, #tpu.memory_space<vmem>>, %arg6: memref<128x128xf32, #tpu.memory_space<vmem>>, %arg7: memref<128x128xf32, #tpu.memory_space<vmem>>, %arg8: memref<1x128xf32, #tpu.memory_space<vmem>>, %arg9: memref<5000x128xf32, #tpu.memory_space<vmem>>) attributes {dimension_semantics = [#tpu.dimension_semantics<arbitrary>], iteration_bounds = array<i64: 2>, scalar_prefetch = 0 : i64, scratch_operands = 0 : i64, tpu.core_type = #tpu.core_type<tc>, window_params = [{transform_indices = @transform_0, window_bounds = array<i64: 5000, 128>}, {transform_indices = @transform_1, window_bounds = array<i64: 5000, 128>}, {transform_indices = @transform_2, window_bounds = array<i64: 5000, 128>}, {transform_indices = @transform_3, window_bounds = array<i64: 5000, 8>}, {transform_indices = @transform_4, window_bounds = array<i64: 5000, 8>}, {pipeline_mode = #tpu.pipeline_mode<synchronous>, transform_indices = @transform_5, window_bounds = array<i64: 128, 128>}, {pipeline_mode = #tpu.pipeline_mode<synchronous>, transform_indices = @transform_6, window_bounds = array<i64: 128, 128>}, {pipeline_mode = #tpu.pipeline_mode<synchronous>, transform_indices = @transform_7, window_bounds = array<i64: 1, 128>}, {transform_indices = @transform_8, window_bounds = array<i64: 5000, 128>}]} {
    %get3A = arith.constant 0 : index
    %get3A_0 = arith.constant 0 : index
    %get3A_1 = vector.load %arg4[%get3A, %get3A_0] : memref<5000x8xf32, #tpu.memory_space<vmem>>, vector<5000x8xf32>
    %slice3A = vector.extract_strided_slice %get3A_1 {offsets = [0, 0], sizes = [5000, 1], strides = [1, 1]} : vector<5000x8xf32> to vector<5000x1xf32>
    %get3A_2 = arith.constant 0 : index
    %get3A_3 = arith.constant 0 : index
    %get3A_4 = vector.load %arg5[%get3A_2, %get3A_3] : memref<5000x8xf32, #tpu.memory_space<vmem>>, vector<5000x8xf32>
    %slice3A_5 = vector.extract_strided_slice %get3A_4 {offsets = [0, 0], sizes = [5000, 1], strides = [1, 1]} : vector<5000x8xf32> to vector<5000x1xf32>
    %add3A = arith.addf %slice3A, %slice3A_5 : vector<5000x1xf32>
    %max3A = arith.constant 1.000000e+00 : f32
    %max3A_6 = vector.broadcast %max3A : f32 to vector<5000x1xf32>
    %max3A_7 = arith.maximumf %add3A, %max3A_6 : vector<5000x1xf32>
    %div3A = arith.constant 1.000000e+00 : f32
    %div3A_8 = vector.broadcast %div3A : f32 to vector<5000x1xf32>
    %div3A_9 = arith.divf %div3A_8, %max3A_7 : vector<5000x1xf32>
    %get3A_10 = arith.constant 0 : index
    %get3A_11 = arith.constant 0 : index
    %get3A_12 = vector.load %arg2[%get3A_10, %get3A_11] : memref<5000x128xf32, #tpu.memory_space<vmem>>, vector<5000x128xf32>
    %get3A_13 = arith.constant 0 : index
    %get3A_14 = arith.constant 0 : index
    %get3A_15 = vector.load %arg3[%get3A_13, %get3A_14] : memref<5000x128xf32, #tpu.memory_space<vmem>>, vector<5000x128xf32>
    %add3A_16 = arith.addf %get3A_12, %get3A_15 : vector<5000x128xf32>
    %mul3A = vector.broadcast %div3A_9 : vector<5000x1xf32> to vector<5000x128xf32>
    %mul3A_17 = arith.mulf %add3A_16, %mul3A : vector<5000x128xf32>
    %get3A_18 = arith.constant 0 : index
    %get3A_19 = arith.constant 0 : index
    %get3A_20 = vector.load %arg1[%get3A_18, %get3A_19] : memref<5000x128xf32, #tpu.memory_space<vmem>>, vector<5000x128xf32>
    %get3A_21 = arith.constant 0 : index
    %get3A_22 = arith.constant 0 : index
    %get3A_23 = vector.load %arg6[%get3A_21, %get3A_22] : memref<128x128xf32, #tpu.memory_space<vmem>>, vector<128x128xf32>
    %dot_general3A = arith.constant dense<0.000000e+00> : vector<5000x128xf32>
    %dot_general3A_24 = tpu.matmul %get3A_20, %get3A_23, %dot_general3A {dimension_numbers = #tpu.dot_dimension_numbers<[1], [0], [0], [1], [0, 0, 1, 1], [], []>, transpose_lhs_hint = false} : vector<5000x128xf32>, vector<128x128xf32>, vector<5000x128xf32> -> vector<5000x128xf32>
    %get3A_25 = arith.constant 0 : index
    %get3A_26 = arith.constant 0 : index
    %get3A_27 = vector.load %arg7[%get3A_25, %get3A_26] : memref<128x128xf32, #tpu.memory_space<vmem>>, vector<128x128xf32>
    %dot_general3A_28 = arith.constant dense<0.000000e+00> : vector<5000x128xf32>
    %dot_general3A_29 = tpu.matmul %mul3A_17, %get3A_27, %dot_general3A_28 {dimension_numbers = #tpu.dot_dimension_numbers<[1], [0], [0], [1], [0, 0, 1, 1], [], []>, transpose_lhs_hint = false} : vector<5000x128xf32>, vector<128x128xf32>, vector<5000x128xf32> -> vector<5000x128xf32>
    %add3A_30 = arith.addf %dot_general3A_24, %dot_general3A_29 : vector<5000x128xf32>
    %get3A_31 = arith.constant 0 : index
    %get3A_32 = arith.constant 0 : index
    %get3A_33 = vector.load %arg8[%get3A_31, %get3A_32] : memref<1x128xf32, #tpu.memory_space<vmem>>, vector<1x128xf32>
    %add3A_34 = vector.broadcast %get3A_33 : vector<1x128xf32> to vector<5000x128xf32>
    %add3A_35 = arith.addf %add3A_30, %add3A_34 : vector<5000x128xf32>
    %max3A_36 = arith.constant 0.000000e+00 : f32
    %max3A_37 = vector.broadcast %max3A_36 : f32 to vector<5000x128xf32>
    %max3A_38 = arith.maximumf %add3A_35, %max3A_37 : vector<5000x128xf32>
    %swap3A = arith.constant 0 : index
    %swap3A_39 = arith.constant 0 : index
    %swap3A_40 = vector.load %arg9[%swap3A, %swap3A_39] : memref<5000x128xf32, #tpu.memory_space<vmem>>, vector<5000x128xf32>
    tpu.vector_store %arg9[%swap3A, %swap3A_39], %max3A_38 {strides = array<i32>} : memref<5000x128xf32, #tpu.memory_space<vmem>>, vector<5000x128xf32>,
    return
  }
  func.func @transform_0(%arg0: i32) -> (i32, i32) {
    %c0_i32 = arith.constant 0 : i32
    %c0_i32_0 = arith.constant 0 : i32
    return %arg0, %c0_i32 : i32, i32
  }
  func.func @transform_1(%arg0: i32) -> (i32, i32) {
    %c0_i32 = arith.constant 0 : i32
    %c0_i32_0 = arith.constant 0 : i32
    return %arg0, %c0_i32 : i32, i32
  }
  func.func @transform_2(%arg0: i32) -> (i32, i32) {
    %c0_i32 = arith.constant 0 : i32
    %c0_i32_0 = arith.constant 0 : i32
    return %arg0, %c0_i32 : i32, i32
  }
  func.func @transform_3(%arg0: i32) -> (i32, i32) {
    %c0_i32 = arith.constant 0 : i32
    %c0_i32_0 = arith.constant 0 : i32
    return %arg0, %c0_i32 : i32, i32
  }
  func.func @transform_4(%arg0: i32) -> (i32, i32) {
    %c0_i32 = arith.constant 0 : i32
    %c0_i32_0 = arith.constant 0 : i32
    return %arg0, %c0_i32 : i32, i32
  }
  func.func @transform_5(%arg0: i32) -> (i32, i32) {
    %c0_i32 = arith.constant 0 : i32
    %c0_i32_0 = arith.constant 0 : i32
    %c0_i32_1 = arith.constant 0 : i32
    return %c0_i32, %c0_i32_0 : i32, i32
  }
  func.func @transform_6(%arg0: i32) -> (i32, i32) {
    %c0_i32 = arith.constant 0 : i32
    %c0_i32_0 = arith.constant 0 : i32
    %c0_i32_1 = arith.constant 0 : i32
    return %c0_i32, %c0_i32_0 : i32, i32
  }
  func.func @transform_7(%arg0: i32) -> (i32, i32) {
    %c0_i32 = arith.constant 0 : i32
    %c0_i32_0 = arith.constant 0 : i32
    %c0_i32_1 = arith.constant 0 : i32
    return %c0_i32, %c0_i32_0 : i32, i32
  }
  func.func @transform_8(%arg0: i32) -> (i32, i32) {
    %c0_i32 = arith.constant 0 : i32
    %c0_i32_0 = arith.constant 0 : i32
    return %arg0, %c0_i32 : i32, i32
  }
}

module attributes {stable_mosaic.version = 14 : i64} {
  func.func @_l2_body(%arg0: i32, %arg1: memref<5000x128xf32, #tpu.memory_space<vmem>>, %arg2: memref<5000x128xf32, #tpu.memory_space<vmem>>, %arg3: memref<5000x128xf32, #tpu.memory_space<vmem>>, %arg4: memref<5000x8xf32, #tpu.memory_space<vmem>>, %arg5: memref<5000x8xf32, #tpu.memory_space<vmem>>, %arg6: memref<128x128xf32, #tpu.memory_space<vmem>>, %arg7: memref<128x128xf32, #tpu.memory_space<vmem>>, %arg8: memref<1x128xf32, #tpu.memory_space<vmem>>, %arg9: memref<128x64xf32, #tpu.memory_space<vmem>>, %arg10: memref<1x64xf32, #tpu.memory_space<vmem>>, %arg11: memref<5000x64xf32, #tpu.memory_space<vmem>>) attributes {dimension_semantics = [#tpu.dimension_semantics<arbitrary>], iteration_bounds = array<i64: 2>, scalar_prefetch = 0 : i64, scratch_operands = 0 : i64, tpu.core_type = #tpu.core_type<tc>, window_params = [{transform_indices = @transform_0, window_bounds = array<i64: 5000, 128>}, {transform_indices = @transform_1, window_bounds = array<i64: 5000, 128>}, {transform_indices = @transform_2, window_bounds = array<i64: 5000, 128>}, {transform_indices = @transform_3, window_bounds = array<i64: 5000, 8>}, {transform_indices = @transform_4, window_bounds = array<i64: 5000, 8>}, {pipeline_mode = #tpu.pipeline_mode<synchronous>, transform_indices = @transform_5, window_bounds = array<i64: 128, 128>}, {pipeline_mode = #tpu.pipeline_mode<synchronous>, transform_indices = @transform_6, window_bounds = array<i64: 128, 128>}, {pipeline_mode = #tpu.pipeline_mode<synchronous>, transform_indices = @transform_7, window_bounds = array<i64: 1, 128>}, {pipeline_mode = #tpu.pipeline_mode<synchronous>, transform_indices = @transform_8, window_bounds = array<i64: 128, 64>}, {pipeline_mode = #tpu.pipeline_mode<synchronous>, transform_indices = @transform_9, window_bounds = array<i64: 1, 64>}, {transform_indices = @transform_10, window_bounds = array<i64: 5000, 64>}]} {
    %get3A = arith.constant 0 : index
    %get3A_0 = arith.constant 0 : index
    %get3A_1 = vector.load %arg4[%get3A, %get3A_0] : memref<5000x8xf32, #tpu.memory_space<vmem>>, vector<5000x8xf32>
    %slice3A = vector.extract_strided_slice %get3A_1 {offsets = [0, 0], sizes = [5000, 1], strides = [1, 1]} : vector<5000x8xf32> to vector<5000x1xf32>
    %get3A_2 = arith.constant 0 : index
    %get3A_3 = arith.constant 0 : index
    %get3A_4 = vector.load %arg5[%get3A_2, %get3A_3] : memref<5000x8xf32, #tpu.memory_space<vmem>>, vector<5000x8xf32>
    %slice3A_5 = vector.extract_strided_slice %get3A_4 {offsets = [0, 0], sizes = [5000, 1], strides = [1, 1]} : vector<5000x8xf32> to vector<5000x1xf32>
    %add3A = arith.addf %slice3A, %slice3A_5 : vector<5000x1xf32>
    %max3A = arith.constant 1.000000e+00 : f32
    %max3A_6 = vector.broadcast %max3A : f32 to vector<5000x1xf32>
    %max3A_7 = arith.maximumf %add3A, %max3A_6 : vector<5000x1xf32>
    %div3A = arith.constant 1.000000e+00 : f32
    %div3A_8 = vector.broadcast %div3A : f32 to vector<5000x1xf32>
    %div3A_9 = arith.divf %div3A_8, %max3A_7 : vector<5000x1xf32>
    %get3A_10 = arith.constant 0 : index
    %get3A_11 = arith.constant 0 : index
    %get3A_12 = vector.load %arg2[%get3A_10, %get3A_11] : memref<5000x128xf32, #tpu.memory_space<vmem>>, vector<5000x128xf32>
    %get3A_13 = arith.constant 0 : index
    %get3A_14 = arith.constant 0 : index
    %get3A_15 = vector.load %arg3[%get3A_13, %get3A_14] : memref<5000x128xf32, #tpu.memory_space<vmem>>, vector<5000x128xf32>
    %add3A_16 = arith.addf %get3A_12, %get3A_15 : vector<5000x128xf32>
    %mul3A = vector.broadcast %div3A_9 : vector<5000x1xf32> to vector<5000x128xf32>
    %mul3A_17 = arith.mulf %add3A_16, %mul3A : vector<5000x128xf32>
    %get3A_18 = arith.constant 0 : index
    %get3A_19 = arith.constant 0 : index
    %get3A_20 = vector.load %arg1[%get3A_18, %get3A_19] : memref<5000x128xf32, #tpu.memory_space<vmem>>, vector<5000x128xf32>
    %get3A_21 = arith.constant 0 : index
    %get3A_22 = arith.constant 0 : index
    %get3A_23 = vector.load %arg6[%get3A_21, %get3A_22] : memref<128x128xf32, #tpu.memory_space<vmem>>, vector<128x128xf32>
    %dot_general3A = arith.constant dense<0.000000e+00> : vector<5000x128xf32>
    %dot_general3A_24 = tpu.matmul %get3A_20, %get3A_23, %dot_general3A {dimension_numbers = #tpu.dot_dimension_numbers<[1], [0], [0], [1], [0, 0, 1, 1], [], []>, transpose_lhs_hint = false} : vector<5000x128xf32>, vector<128x128xf32>, vector<5000x128xf32> -> vector<5000x128xf32>
    %get3A_25 = arith.constant 0 : index
    %get3A_26 = arith.constant 0 : index
    %get3A_27 = vector.load %arg7[%get3A_25, %get3A_26] : memref<128x128xf32, #tpu.memory_space<vmem>>, vector<128x128xf32>
    %dot_general3A_28 = arith.constant dense<0.000000e+00> : vector<5000x128xf32>
    %dot_general3A_29 = tpu.matmul %mul3A_17, %get3A_27, %dot_general3A_28 {dimension_numbers = #tpu.dot_dimension_numbers<[1], [0], [0], [1], [0, 0, 1, 1], [], []>, transpose_lhs_hint = false} : vector<5000x128xf32>, vector<128x128xf32>, vector<5000x128xf32> -> vector<5000x128xf32>
    %add3A_30 = arith.addf %dot_general3A_24, %dot_general3A_29 : vector<5000x128xf32>
    %get3A_31 = arith.constant 0 : index
    %get3A_32 = arith.constant 0 : index
    %get3A_33 = vector.load %arg8[%get3A_31, %get3A_32] : memref<1x128xf32, #tpu.memory_space<vmem>>, vector<1x128xf32>
    %add3A_34 = vector.broadcast %get3A_33 : vector<1x128xf32> to vector<5000x128xf32>
    %add3A_35 = arith.addf %add3A_30, %add3A_34 : vector<5000x128xf32>
    %max3A_36 = arith.constant 0.000000e+00 : f32
    %max3A_37 = vector.broadcast %max3A_36 : f32 to vector<5000x128xf32>
    %max3A_38 = arith.maximumf %add3A_35, %max3A_37 : vector<5000x128xf32>
    %get3A_39 = arith.constant 0 : index
    %get3A_40 = arith.constant 0 : index
    %get3A_41 = vector.load %arg9[%get3A_39, %get3A_40] : memref<128x64xf32, #tpu.memory_space<vmem>>, vector<128x64xf32>
    %dot_general3A_42 = arith.constant dense<0.000000e+00> : vector<5000x64xf32>
    %dot_general3A_43 = tpu.matmul %max3A_38, %get3A_41, %dot_general3A_42 {dimension_numbers = #tpu.dot_dimension_numbers<[1], [0], [0], [1], [0, 0, 1, 1], [], []>, transpose_lhs_hint = false} : vector<5000x128xf32>, vector<128x64xf32>, vector<5000x64xf32> -> vector<5000x64xf32>
    %get3A_44 = arith.constant 0 : index
    %get3A_45 = arith.constant 0 : index
    %get3A_46 = vector.load %arg10[%get3A_44, %get3A_45] : memref<1x64xf32, #tpu.memory_space<vmem>>, vector<1x64xf32>
    %add3A_47 = vector.broadcast %get3A_46 : vector<1x64xf32> to vector<5000x64xf32>
    %add3A_48 = arith.addf %dot_general3A_43, %add3A_47 : vector<5000x64xf32>
    %swap3A = arith.constant 0 : index
    %swap3A_49 = arith.constant 0 : index
    %swap3A_50 = vector.load %arg11[%swap3A, %swap3A_49] : memref<5000x64xf32, #tpu.memory_space<vmem>>, vector<5000x64xf32>
    tpu.vector_store %arg11[%swap3A, %swap3A_49], %add3A_48 {strides = array<i32>} : memref<5000x64xf32, #tpu.memory_space<vmem>>, vector<5000x64xf32>,
    return
  }
  func.func @transform_0(%arg0: i32) -> (i32, i32) {
    %c0_i32 = arith.constant 0 : i32
    %c0_i32_0 = arith.constant 0 : i32
    return %arg0, %c0_i32 : i32, i32
  }
  func.func @transform_1(%arg0: i32) -> (i32, i32) {
    %c0_i32 = arith.constant 0 : i32
    %c0_i32_0 = arith.constant 0 : i32
    return %arg0, %c0_i32 : i32, i32
  }
  func.func @transform_2(%arg0: i32) -> (i32, i32) {
    %c0_i32 = arith.constant 0 : i32
    %c0_i32_0 = arith.constant 0 : i32
    return %arg0, %c0_i32 : i32, i32
  }
  func.func @transform_3(%arg0: i32) -> (i32, i32) {
    %c0_i32 = arith.constant 0 : i32
    %c0_i32_0 = arith.constant 0 : i32
    return %arg0, %c0_i32 : i32, i32
  }
  func.func @transform_4(%arg0: i32) -> (i32, i32) {
    %c0_i32 = arith.constant 0 : i32
    %c0_i32_0 = arith.constant 0 : i32
    return %arg0, %c0_i32 : i32, i32
  }
  func.func @transform_5(%arg0: i32) -> (i32, i32) {
    %c0_i32 = arith.constant 0 : i32
    %c0_i32_0 = arith.constant 0 : i32
    %c0_i32_1 = arith.constant 0 : i32
    return %c0_i32, %c0_i32_0 : i32, i32
  }
  func.func @transform_6(%arg0: i32) -> (i32, i32) {
    %c0_i32 = arith.constant 0 : i32
    %c0_i32_0 = arith.constant 0 : i32
    %c0_i32_1 = arith.constant 0 : i32
    return %c0_i32, %c0_i32_0 : i32, i32
  }
  func.func @transform_7(%arg0: i32) -> (i32, i32) {
    %c0_i32 = arith.constant 0 : i32
    %c0_i32_0 = arith.constant 0 : i32
    %c0_i32_1 = arith.constant 0 : i32
    return %c0_i32, %c0_i32_0 : i32, i32
  }
  func.func @transform_8(%arg0: i32) -> (i32, i32) {
    %c0_i32 = arith.constant 0 : i32
    %c0_i32_0 = arith.constant 0 : i32
    %c0_i32_1 = arith.constant 0 : i32
    return %c0_i32, %c0_i32_0 : i32, i32
  }
  func.func @transform_9(%arg0: i32) -> (i32, i32) {
    %c0_i32 = arith.constant 0 : i32
    %c0_i32_0 = arith.constant 0 : i32
    %c0_i32_1 = arith.constant 0 : i32
    return %c0_i32, %c0_i32_0 : i32, i32
  }
  func.func @transform_10(%arg0: i32) -> (i32, i32) {
    %c0_i32 = arith.constant 0 : i32
    %c0_i32_0 = arith.constant 0 : i32
    return %arg0, %c0_i32 : i32, i32
  }
}

</mosaic_0001>

<sc_bundles>
// kernel: kernel.6.cloned.1.call-start
scs
__scs_entry_jumppad:
0x0: {  	(pc) =	sbr.rel $0x88, $3  }
0x1: {  	(tag) =	ssettag $0x0;
	lr =	simm.s32 $0x1  }
0x2: {  	[smem:$0x3F97] =	sst lr;
	_ =	strace $0xD0000000  }
0x3: {  	_ = 	snop  }
0x4: {  	_ = 	snop  }
0x5: {  	_ = 	snop  }
0x6: {  	_ = 	snop  }
0x7: {  	_ = 	snop  }
__scs_overlays_trampoline_lowered:
0x8: {  	[smem:$0x3FA6] =	sst s0  }
0x9: {  	[smem:$0x3FA7] =	sst s1  }
0xa: {  	[smem:$0x3FA8] =	sst s2  }
0xb: {  	[smem:$0x3FA9] =	sst s3  }
0xc: {  	[smem:$0x3FAA] =	sst s4  }
0xd: {  	[smem:$0x3FAB] =	sst s5  }
0xe: {  	[smem:$0x3FAC] =	sst s6  }
0xf: {  	[smem:$0x3FAD] =	sst s7  }
0x10: {  	[smem:$0x3FAE] =	sst s8  }
0x11: {  	[smem:$0x3FAF] =	sst s9;
	s0 =	simm.s32 @!p0 $0x0  }
0x12: {  	s1 =	sld [smem:$0x3F95];
	s0 =	simm.s32 @p0 $0x1  }
0x13: {  	[smem:$0x3FB0] =	sst s0;
	s0 =	simm.s32 @!p1 $0x0  }
0x14: {  	s2 =	sld [smem:$0x3F94];
	s0 =	simm.s32 @p1 $0x1  }
0x15: {  	[smem:$0x3FB1] =	sst s0;
	s0 =	simm.s32 @!p2 $0x0  }
0x16: {  	s3 =	sld [smem:$0x3FDB];
	s0 =	simm.s32 @p2 $0x1  }
0x17: {  	s4 =	simm.s32 $0x1BF5;
	[smem:$0x3FB3] =	sst s0  }
0x18: {  	s0 =	sld [smem:$0x3F96];
	_ =	swait.ge [sflag:s4], $0x0  }
0x19: {  	s7 =	sld [smem:$0x3F97]  }
0x1a: {  	s8 =	sadd.s32 $0xFFFFE003, lr  }
0x1b: {  	s9 =	sadd.s32 $0xFFFFFEF7, lr;
	s5 =	simm.s32 $0xFFFFFFFF;
	p2 =	slt.u32 s8, $0xFFFFF086  }
0x1c: {  	p1 =	slt.u32 s9, $0xF7A;
	s5 =	simm.s32 @!p2 $0x0  }
0x1d: {  	s5 =	simm.s32 @p1 $0x1;
	p0 =	seq.s32 s7, s2  }
0x1e: {  	s7 =	smul.u32 @!p0 $0xF7A, s2;
	p2 =	seq.s32 @!p0 s5, $0x0  }
0x1f: {  	s9 =	smul.u32 $0xF7A, s1;
	s8 =	simm.s32 @!p0 $0x1BF5;
	p2 =	por !p2, p0  }
0x20: {  	[sflag:s8] =	ssyncset.s32 @!p0 $0xFFFFF086;
	s6 =	sadd.s32 @!p0 s3, s7;
	s7 =	simm.s32 @!p0 $0x108  }
0x21: {  	s3 =	sadd.s32 s3, s9;
	s6 =	sadd.s32 @!p0 $0x88, s6;
	s7 =	simm.s32 @p2 $0x1082  }
0x22: {  	[simem:s7], [sflag:s8] =	dma.local @!p0 [hbm:s6], $0xF7A  }
0x23: {  	s9 =	sor.u32 $0xD0000000, s2;
	s6 =	simm.s32 $0x108;
	_ =	swait.ge @!p0 [sflag:s8], $0x0  }
0x24: {  	s3 =	sadd.s32 $0x88, s3;
	s6 =	simm.s32 @!p1 $0x1082;
	[sflag:s4] =	ssyncset.s32 $0xFFFFF086  }
0x25: {  	[simem:s6], [sflag:s4] =	dma.local [hbm:s3], $0xF7A  }
0x26: {  	[smem:$0x3F97] =	sst s1;
	(tag) =	ssettag s2;
	_ =	strace s9  }
0x27: {  	s1 =	sld [smem:$0x3FA7]  }
0x28: {  	s2 =	sld [smem:$0x3FA8]  }
0x29: {  	s4 =	sld [smem:$0x3FAA]  }
0x2a: {  	p0 =	seq.s32 s5, $0x0;
	s5 =	sld [smem:$0x3FAB]  }
0x2b: {  	s6 =	sld [smem:$0x3FAC]  }
0x2c: {  	s7 =	sld [smem:$0x3FAD]  }
0x2d: {  	s3 =	simm.s32 $0x108;
	s8 =	sld [smem:$0x3FAE]  }
0x2e: {  	s3 =	simm.s32 @!p0 $0x1082;
	s9 =	sld [smem:$0x3FAF]  }
0x2f: {  	lr =	sadd.s32 s0, s3;
	s0 =	sld [smem:$0x3FA6]  }
0x30: {  	s3 =	sld [smem:$0x3FA9]  }
0x31: {  	[smem:$0x3FB2] =	sst s10  }
0x32: {  	s10 =	sld [smem:$0x3FB0];
	_ =	sdelay $0x3  }
0x33: {  	p0 =	seq.s32 s10, $0x1;
	s10 =	sld [smem:$0x3FB2];
	_ =	sdelay $0x3  }
0x34: {  	[smem:$0x3FB2] =	sst s10  }
0x35: {  	s10 =	sld [smem:$0x3FB1];
	_ =	sdelay $0x3  }
0x36: {  	p1 =	seq.s32 s10, $0x1;
	s10 =	sld [smem:$0x3FB2];
	_ =	sdelay $0x3  }
0x37: {  	[smem:$0x3FB2] =	sst s10  }
0x38: {  	s10 =	sld [smem:$0x3FB3]  }
0x39: {  	_ = 	snop;
	(pc) =	sbr.ind lr, $3  }
0x3a: {  	_ = 	snop  }
0x3b: {  	_ = 	snop  }
0x3c: {  	p2 =	seq.s32 s10, $0x1;
	s10 =	sld [smem:$0x3FB2]  }
0x3d: {  	_ =	shalt  }
0x3e: {  	_ =	shalt  }
0x3f: {  	_ =	shalt  }
0x40: {  	_ =	shalt  }
0x41: {  	_ =	shalt  }
0x42: {  	_ =	shalt  }
0x43: {  	_ =	shalt  }
0x44: {  	_ =	shalt  }
0x45: {  	_ =	shalt  }
0x46: {  	_ =	shalt  }
0x47: {  	_ =	shalt  }
0x48: {  	_ =	shalt  }
0x49: {  	_ =	shalt  }
0x4a: {  	_ =	shalt  }
0x4b: {  	_ =	shalt  }
0x4c: {  	_ =	shalt  }
0x4d: {  	_ =	shalt  }
0x4e: {  	_ =	shalt  }
0x4f: {  	_ =	shalt  }
0x50: {  	_ =	shalt  }
0x51: {  	_ =	shalt  }
0x52: {  	_ =	shalt  }
0x53: {  	_ =	shalt  }
0x54: {  	_ =	shalt  }
0x55: {  	_ =	shalt  }
0x56: {  	_ =	shalt  }
0x57: {  	_ =	shalt  }
0x58: {  	_ =	shalt  }
0x59: {  	_ =	shalt  }
0x5a: {  	_ =	shalt  }
0x5b: {  	_ =	shalt  }
0x5c: {  	_ =	shalt  }
0x5d: {  	_ =	shalt  }
0x5e: {  	_ =	shalt  }
0x5f: {  	_ =	shalt  }
0x60: {  	_ =	shalt  }
0x61: {  	_ =	shalt  }
0x62: {  	_ =	shalt  }
0x63: {  	_ =	shalt  }
0x64: {  	_ =	shalt  }
0x65: {  	_ =	shalt  }
0x66: {  	_ =	shalt  }
0x67: {  	_ =	shalt  }
0x68: {  	_ =	shalt  }
0x69: {  	_ =	shalt  }
0x6a: {  	_ =	shalt  }
0x6b: {  	_ =	shalt  }
0x6c: {  	_ =	shalt  }
0x6d: {  	_ =	shalt  }
0x6e: {  	_ =	shalt  }
0x6f: {  	_ =	shalt  }
0x70: {  	_ =	shalt  }
0x71: {  	_ =	shalt  }
0x72: {  	_ =	shalt  }
0x73: {  	_ =	shalt  }
0x74: {  	_ =	shalt  }
0x75: {  	_ =	shalt  }
0x76: {  	_ =	shalt  }
0x77: {  	_ =	shalt  }
0x78: {  	_ =	shalt  }
0x79: {  	_ =	shalt  }
0x7a: {  	_ =	shalt  }
0x7b: {  	_ =	shalt  }
0x7c: {  	_ =	shalt  }
0x7d: {  	_ =	shalt  }
0x7e: {  	_ =	shalt  }
0x7f: {  	_ =	shalt  }
0x80: {  	_ =	shalt  }
0x81: {  	_ =	shalt  }
0x82: {  	_ =	shalt  }
0x83: {  	_ =	shalt  }
0x84: {  	_ =	shalt  }
0x85: {  	_ =	shalt  }
0x86: {  	_ =	shalt  }
0x87: {  	_ =	shalt  }
.Lfunc_end0:
.L_simem_size_0:
called_computation_lowered:
.L_overlay_start_0:
0x88: {  	s2 =	sld [smem:$0x3FD9]  }
0x89: {  	s3 =	sld [smem:$0x3FFE];
	_ =	sdelay $0x1  }
0x8a: {  	s1 =	srdreg.scid  }
0x8b: {  	s0 =	sand.u32 $0x1, s1  }
0x8c: {  	s17 =	sshll.u32 s0, $0xA;
	s2 =	sadd.s32 s3, s2  }
0x8d: {  	s2 =	sadd.s32 s2, s17  }
0x8e: {  	[smem:$0x3FBE] =	sst s2  }
0x8f: {  	_ = 	snop  }
0x90: {  	s2 =	sld [smem:$0x3FC9]  }
0x91: {  	s18 =	sld [smem:$0x3FD0];
	(tm) =	ssettm $0x1  }
0x92: {  	s4 =	sld [smem:$0x3FFB];
	_ =	sdelay $0x3  }
0x93: {  	_ =	strace s4  }
0x94: {  	s4 =	sld [smem:$0x3FFC];
	_ =	sdelay $0x3  }
0x95: {  	_ =	strace s4  }
0x96: {  	s4 =	sld [smem:$0x3FFD];
	_ =	sdelay $0x3  }
0x97: {  	_ =	strace s4  }
0x98: {  	_ =	strace $0x8FFFFFFF  }
0x99: {  	s19 =	sld [smem:$0x3FDB];
	_ =	sdelay $0x1  }
0x9a: {  	s5 =	simm.s32 $_scs_section_size  }
0x9b: {  	s6 =	simm.s32 $_size__tile_overlayer_lowered;
	s7 =	simm.s32 $_tile_overlayer_lowered  }
0x9c: {  	s22 =	simm.s32 $0x1BFF;
	s21 =	sshll.u32 s7, $0x1;
	s4 =	sadd.s32 s5, s19  }
0x9d: {  	s8 =	simm.s32 $0x0;
	s20 =	sshll.u32 s6, $0x1;
	s6 =	sadd.s32 s21, s4  }
0x9e: {  	[timem:s8], [sflag:s22] =	dma.local [hbm:s6], s20  }
0x9f: {  	_ =	swait.ge [sflag:s22], s20  }
0xa0: {  	s5 =	ssub.s32 $0x0, s20;
	[sflag:s22] =	ssyncset.done $0x0  }
0xa1: {  	[sflag:s22] =	ssyncadd.s32 s5;
	_ =	sdelay $0x1  }
0xa2: {  	s23 =	simm.s32 $0x1B8B  }
0xa3: {  	_ =	swait.ge [sflag:s23], $0x1  }
0xa4: {  	[sflag:s23] =	ssyncset.done $0x0  }
0xa5: {  	s25 =	simm.s32 $0x1B8E;
	s24 =	sld [smem:$0x3FFE];
	[sflag:s23] =	ssyncadd.s32 $0xFFFFFFFF  }
0xa6: {  	s26 =	simm.s32 $execute0_lowered;
	[smem:$0x3FD2] =	sst s25  }
0xa7: {  	s6 =	sshll.u32 s26, $0x1;
	_ =	strace $0x80000046;
	[dreg:$0x1] =	wrdreg $0xFFFFFFFF  }
0xa8: {  	s28 =	simm.s32 $_size_execute0_lowered;
	s4 =	sadd.s32 s4, s6;
	[dreg:$0x0] =	wrdreg $0x0  }
0xa9: {  	s6 =	sshll.u32 s28, $0x1;
	[dreg:$0x2] =	wrdreg s4  }
0xaa: {  	[dreg:$0x3] =	wrdreg s6  }
0xab: {  	[dreg:$0x4] =	wrdreg $0xC0  }
0xac: {  	_ =	task [dreg:s8], $0x5FFFF  }
0xad: {  	[dreg:$0x1] =	wrdreg $0xFFFFFFFF  }
0xae: {  	[dreg:$0x0] =	wrdreg $0x60  }
0xaf: {  	[dreg:$0x2] =	wrdreg s2  }
0xb0: {  	[dreg:$0x3] =	wrdreg s18  }
0xb1: {  	[dreg:$0x4] =	wrdreg s24  }
0xb2: {  	[dreg:$0x5] =	wrdreg $0xA0000  }
0xb3: {  	[dreg:$0x6] =	wrdreg $0x1E1400  }
0xb4: {  	[dreg:$0x7] =	wrdreg $0x9  }
0xb5: {  	_ =	task.clear_ibuf [dreg:s8], $0x8FFFF;
	_ =	strace $0x90000046  }
0xb6: {  	s29 =	simm.s32 $0x9;
	_ =	strace $0x80000048  }
0xb7: {  	_ =	swait.ge [sflag:s29], $0x1  }
0xb8: {  	[sflag:s29] =	ssyncadd.s32 $0xFFFFFFFF  }
0xb9: {  	_ =	strace $0x90000048  }
0xba: {  	_ =	sfence  }
0xbb: {  	s30 =	sld [smem:$0x0];
	_ =	sdelay $0x2  }
0xbc: {  	s31 =	sshll.u32 s1, $0xD;
	s1 =	sshrl.u32 s1, $0x2  }
0xbd: {  	s3 =	sand.u32 $0x4000, s31;
	s1 =	sadd.s32 s1, s30  }
0xbe: {  	s0 =	sor.u32 s3, s0;
	s1 =	sshll.u32 s1, $0x11  }
0xbf: {  	s0 =	sor.u32 s1, s0  }
0xc0: {  	s0 =	sadd.s32 $0x8F2B, s0  }
0xc1: {  	[sflag:s0] =	ssyncadd.remote.s32 $0x1  }
0xc2: {  	_ =	sfence.sel $0xFFFF  }
0xc3: {  	[dreg:$0x0] =	wrdreg $0xFFFFFFFF;
	(pc) =	sbr.abs _section_cstart, $3  }
0xc4: {  	[dreg:$0x1] =	wrdreg $0xFFFFFFFF  }
0xc5: {  	_ =	task.clear_ibuf [dreg:s8], $0x2FFFF;
	_ =	strace $0x9FFFFFFF  }
0xc6: {  	(tm) =	ssettm $0x7FFFFFFF  }
0xc7: {  	_ =	shalt  }
tec
execute0_lowered:
.L_overlay_start_1:
0x0: {  	(tag) =	ssettag $0x1  }
0x1: {  	s1 =	rddreg [dreg:$0x0]  }
0x2: {  	s0 =	srdreg.scid;
	s2 =	rddreg [dreg:$0x1]  }
0x3: {  	s12 =	stileid.u32;
	s6 =	rddreg [dreg:$0x2];
	s5 =	simm.s32 $0x0  }
0x4: {  	s28 =	simm.s32 $0x5000;
	s29 =	simm.s32 $0x6400;
	s31 =	simm.s32 $0x7800  }
0x5: {  	s30 =	simm.s32 $0x4;
	s13 =	simm.s32 $0x4FB0;
	s14 =	simm.s32 $0x4FD8  }
0x6: {  	s15 =	simm.s32 $0x0;
	s0 =	sand.u32 $0x1, s0;
	s8 =	smul.u32 $0x280, s12  }
0x7: {  	s4 =	sshll.u32 s12, $0x8;
	[smem:$0x7FF] =	sst s5;
	s20 =	smul.u32 $0x50000, s12  }
0x8: {  	s16 =	sadd.s32 $0xCA00, s6;
	s17 =	sadd.s32 $0xF200, s6;
	s21 =	smul.u32 $0x5000, s12  }
0x9: {  	s11 =	sadd.s32 $0xF600, s6;
	s3 =	sshll.u32 s0, $0xC;
	s9 =	smul.u32 $0x2800, s0  }
0xa: {  	s0 =	ssub.s32 $0x2, s0;
	s4 =	sor.u32 s4, s3;
	s3 =	rddreg [dreg:$0x3]  }
0xb: {  	s19 =	sshrl.u32 s0, $0x1;
	s7 =	smul.u32 $0x5, s4;
	s4 =	rddreg [dreg:$0x4]  }
0xc: {  	s23 =	sshrl.u32 s20, $0x2;
	_ =	strace $0x80000047;
	[dreg:$0x6] =	wrdreg s16  }
0xd: {  	s20 =	simm.s32 $0x1E000;
	s8 =	sadd.s32 s8, s9;
	[dreg:$0x7] =	wrdreg s17  }
0xe: {  	[dreg:$0x8] =	wrdreg s11;
	s0 =	ssub.s32 s0, s19;
	s11 =	sshll.u32 s12, $0x6  }
0xf: {  	s16 =	simm.s32 $0x3;
	s18 =	sshll.u32 s8, $0x4;
	s24 =	sor.u32 $0x1C05, s11  }
0x10: {  	s0 =	smax.u32 s0, $0x1;
	s26 =	sor.u32 $0x1C06, s11;
	s10 =	sadd.s32 s7, s6  }
0x11: {  	s9 =	sadd.s32 s18, s6;
	s6 =	sadd.s32 s8, s6;
	[dreg:$0xb] =	wrdreg s24  }
0x12: {  	s2 =	sadd.s32 s2, s7;
	s7 =	sadd.s32 s23, s3;
	[dreg:$0xe] =	wrdreg s0  }
0x13: {  	[dreg:$0xf] =	wrdreg s26;
	s23 =	simm.s32 $0x5;
	s24 =	simm.s32 $0x6  }
0x14: {  	s26 =	simm.s32 $0x28;
	s0 =	simm.s32 $0x8C00;
	s8 =	simm.s32 $0x8  }
0x15: {  	[dreg:$0x9] =	wrdreg s2;
	s22 =	sadd.s32 $0x2A00, s10;
	s2 =	sshrl.u32 s21, $0x2  }
0x16: {  	s25 =	sadd.s32 $0x14800, s9;
	s6 =	sadd.s32 $0xF800, s6;
	s17 =	sshrl.u32 s7, $0x3  }
0x17: {  	s21 =	simm.s32 $0x1;
	s7 =	simm.s32 $0xB;
	[dreg:$0xa] =	wrdreg s22  }
0x18: {  	s9 =	simm.s32 $0xC;
	s2 =	sadd.s32 s2, s4;
	[dreg:$0xc] =	wrdreg s25  }
0x19: {  	[dreg:$0xd] =	wrdreg s6;
	s22 =	simm.s32 $0x2;
	s25 =	simm.s32 $0x9  }
0x1a: {  	s6 =	simm.s32 $0x7;
	s19 =	sshrl.u32 s2, $0x3;
	s2 =	simm.s32 $0xA  }
.LBB2_1:
0x1b: {  	s10 =	rddreg [dreg:$0x9]  }
0x1c: {  	[tilespmem:s5], [sflag:$0x1] =	stream.linear.gather [hbm4b:s10+s5], $0x2800, $0x38;
	[tilespmem:$0x1F540] =	vst v63  }
0x1d: {  	s18 =	rddreg [dreg:$0xa];
	s12 =	simm.s32 $0x2800  }
0x1e: {  	[tilespmem:s12], [sflag:$0x2] =	stream.linear.gather [hbm4b:s18+s5], $0x2800, $0x38;
	[tilespmem:$0x1F540] =	vst v63  }
0x1f: {  	s12 =	rddreg [dreg:$0x6]  }
0x20: {  	s18 =	rddreg [dreg:$0xb]  }
0x21: {  	[spmem:s17], [sflag:s18] =	dma.local [hbm:s12], $0x2800  }
0x22: {  	s10 =	rddreg [dreg:$0x7]  }
0x23: {  	s12 =	rddreg [dreg:$0xf]  }
0x24: {  	[spmem:s19], [sflag:s12] =	dma.local [hbm:s10], $0x280  }
0x25: {  	s10 =	rddreg [dreg:$0x8]  }
0x26: {  	[tilespmem:s20], [sflag:$0x9] =	stream.linear.gather [hbm4b:s10+s5], $0x140, $0x38;
	[tilespmem:$0x1F540] =	vst v63  }
0x27: {  	_ =	swait.ge [sflag:s21], $0x2800  }
0x28: {  	[sflag:s21] =	ssyncset.done $0x0  }
0x29: {  	[sflag:s21] =	ssyncadd.s32 $0xFFFFD800  }
0x2a: {  	_ =	swait.ge [sflag:s22], $0x2800  }
0x2b: {  	[sflag:s22] =	ssyncset.done $0x0  }
0x2c: {  	[sflag:s22] =	ssyncadd.s32 $0xFFFFD800  }
0x2d: {  	_ =	swait.ge [sflag:s23], $0x2800  }
0x2e: {  	[sflag:s23] =	ssyncset.done $0x0  }
0x2f: {  	[sflag:s23] =	ssyncadd.s32 $0xFFFFD800  }
0x30: {  	_ =	swait.ge [sflag:s24], $0x280  }
0x31: {  	[sflag:s24] =	ssyncset.done $0x0  }
0x32: {  	[sflag:s24] =	ssyncadd.s32 $0xFFFFFD80  }
0x33: {  	_ =	swait.ge [sflag:s25], $0x140  }
0x34: {  	[sflag:s25] =	ssyncset.done $0x0  }
0x35: {  	[sflag:s25] =	ssyncadd.s32 $0xFFFFFEC0  }
0x36: {  	[bflag:$0x0] =	sbarrier.arrive $0xFFFF  }
0x37: {  	[tilespmem:s28], [sflag:$0x1] =	stream.indirect.gather [hbm4b:s1+s26], $0x80, s5, s26, $0xb8;
	[tilespmem:$0x1F540] =	vst v63  }
0x38: {  	_ = 	snop  }
0x39: {  	[tilespmem:s29], [sflag:$0x2] =	stream.indirect.gather [hbm4b:s1+s26], $0x80, s26, s26, $0xb8;
	[tilespmem:$0x1F540] =	vst v63  }
0x3a: {  	s18 =	simm.s32 $0x50  }
0x3b: {  	[tilespmem:s31], [sflag:$0x3] =	stream.indirect.gather [hbm4b:s1+s26], $0x80, s18, s26, $0xb8;
	[tilespmem:$0x1F540] =	vst v63  }
0x3c: {  	s12 =	simm.s32 $0x78  }
0x3d: {  	[tilespmem:s0], [sflag:$0x4] =	stream.indirect.gather [hbm4b:s1+s26], $0x80, s12, s26, $0xb8;
	[tilespmem:$0x1F540] =	vst v63  }
0x3e: {  	_ =	swait.ge [sflag:s21], $0x1400  }
0x3f: {  	[sflag:s21] =	ssyncset.done $0x0  }
0x40: {  	s18 =	simm.s32 $0x2800;
	[sflag:s21] =	ssyncadd.s32 $0xFFFFEC00  }
0x41: {  	[spmem:s3] =	stream.indirect.scatter.add.f32 [tilespmem:s28], [sflag:$0x5], $0x80, s18, s26, $0xb8;
	[tilespmem:$0x1F540] =	vst v63  }
0x42: {  	_ = 	snop  }
0x43: {  	[spmem:s4] =	stream.indirect.scatter.add.f32 [tilespmem:s20], [sflag:$0x9], $0x8, s18, s26, $0xb8;
	[tilespmem:$0x1F540] =	vst v63  }
0x44: {  	_ =	swait.ge [sflag:s22], $0x1400  }
0x45: {  	[sflag:s22] =	ssyncset.done $0x0  }
0x46: {  	s12 =	simm.s32 $0x2828;
	[sflag:s22] =	ssyncadd.s32 $0xFFFFEC00  }
0x47: {  	[spmem:s3] =	stream.indirect.scatter.add.f32 [tilespmem:s29], [sflag:$0x6], $0x80, s12, s26, $0xb8;
	[tilespmem:$0x1F540] =	vst v63  }
0x48: {  	_ = 	snop  }
0x49: {  	[spmem:s4] =	stream.indirect.scatter.add.f32 [tilespmem:s20], [sflag:$0xA], $0x8, s12, s26, $0xb8;
	[tilespmem:$0x1F540] =	vst v63  }
0x4a: {  	_ =	swait.ge [sflag:s16], $0x1400  }
0x4b: {  	[sflag:s16] =	ssyncset.done $0x0  }
0x4c: {  	s18 =	simm.s32 $0x2850;
	[sflag:s16] =	ssyncadd.s32 $0xFFFFEC00  }
0x4d: {  	[spmem:s3] =	stream.indirect.scatter.add.f32 [tilespmem:s31], [sflag:$0x7], $0x80, s18, s26, $0xb8;
	[tilespmem:$0x1F540] =	vst v63  }
0x4e: {  	_ = 	snop  }
0x4f: {  	[spmem:s4] =	stream.indirect.scatter.add.f32 [tilespmem:s20], [sflag:$0xB], $0x8, s18, s26, $0xb8;
	[tilespmem:$0x1F540] =	vst v63  }
0x50: {  	_ =	swait.ge [sflag:s30], $0x1400  }
0x51: {  	[sflag:s30] =	ssyncset.done $0x0  }
0x52: {  	s12 =	simm.s32 $0x2878;
	[sflag:s30] =	ssyncadd.s32 $0xFFFFEC00  }
0x53: {  	[spmem:s3] =	stream.indirect.scatter.add.f32 [tilespmem:s0], [sflag:$0x8], $0x80, s12, s26, $0xb8;
	[tilespmem:$0x1F540] =	vst v63  }
0x54: {  	_ = 	snop  }
0x55: {  	[spmem:s4] =	stream.indirect.scatter.add.f32 [tilespmem:s20], [sflag:$0xC], $0x8, s12, s26, $0xb8;
	[tilespmem:$0x1F540] =	vst v63  }
0x56: {  	_ =	swait.ge [sflag:s23], $0x1400  }
0x57: {  	[sflag:s23] =	ssyncset.done $0x0  }
0x58: {  	[sflag:s23] =	ssyncadd.s32 $0xFFFFEC00  }
0x59: {  	_ =	swait.ge [sflag:s25], $0x140  }
0x5a: {  	[sflag:s25] =	ssyncset.done $0x0  }
0x5b: {  	s18 =	simm.s32 $0xA0;
	[sflag:s25] =	ssyncadd.s32 $0xFFFFFEC0  }
0x5c: {  	[tilespmem:s28], [sflag:$0x1] =	stream.indirect.gather [hbm4b:s1+s26], $0x80, s18, s26, $0xb8;
	[tilespmem:$0x1F540] =	vst v63  }
0x5d: {  	_ =	swait.ge [sflag:s24], $0x1400  }
0x5e: {  	[sflag:s24] =	ssyncset.done $0x0  }
0x5f: {  	[sflag:s24] =	ssyncadd.s32 $0xFFFFEC00  }
0x60: {  	_ =	swait.ge [sflag:s2], $0x140  }
0x61: {  	[sflag:s2] =	ssyncset.done $0x0  }
0x62: {  	s12 =	simm.s32 $0xC8;
	[sflag:s2] =	ssyncadd.s32 $0xFFFFFEC0  }
0x63: {  	[tilespmem:s29], [sflag:$0x2] =	stream.indirect.gather [hbm4b:s1+s26], $0x80, s12, s26, $0xb8;
	[tilespmem:$0x1F540] =	vst v63  }
0x64: {  	_ =	swait.ge [sflag:s6], $0x1400  }
0x65: {  	[sflag:s6] =	ssyncset.done $0x0  }
0x66: {  	[sflag:s6] =	ssyncadd.s32 $0xFFFFEC00  }
0x67: {  	_ =	swait.ge [sflag:s7], $0x140  }
0x68: {  	[sflag:s7] =	ssyncset.done $0x0  }
0x69: {  	s18 =	simm.s32 $0xF0;
	[sflag:s7] =	ssyncadd.s32 $0xFFFFFEC0  }
0x6a: {  	[tilespmem:s31], [sflag:$0x3] =	stream.indirect.gather [hbm4b:s1+s26], $0x80, s18, s26, $0xb8;
	[tilespmem:$0x1F540] =	vst v63  }
0x6b: {  	_ =	swait.ge [sflag:s8], $0x1400  }
0x6c: {  	[sflag:s8] =	ssyncset.done $0x0  }
0x6d: {  	[sflag:s8] =	ssyncadd.s32 $0xFFFFEC00  }
0x6e: {  	_ =	swait.ge [sflag:s9], $0x140  }
0x6f: {  	[sflag:s9] =	ssyncset.done $0x0  }
0x70: {  	s10 =	simm.s32 $0x118;
	s18 =	simm.s32 $0x280;
	[sflag:s9] =	ssyncadd.s32 $0xFFFFFEC0  }
.LBB2_2:
0x71: {  	[tilespmem:s0], [sflag:$0x4] =	stream.indirect.gather [hbm4b:s1+s26], $0x80, s10, s26, $0xb8;
	[tilespmem:$0x1F540] =	vst v63  }
0x72: {  	s10 =	smov.u32 s18  }
0x73: {  	p0 =	sne.s32 s18, $0x9B00;
	s18 =	sadd.s32 $0x280, s18;
	_ =	swait.ge [sflag:s21], $0x1400  }
0x74: {  	s10 =	sshra.s32 s10, $0x2;
	[sflag:s21] =	ssyncset.done $0x0  }
0x75: {  	s12 =	sadd.s32 $0x2800, s10;
	[sflag:s21] =	ssyncadd.s32 $0xFFFFEC00  }
0x76: {  	[spmem:s3] =	stream.indirect.scatter.add.f32 [tilespmem:s28], [sflag:$0x5], $0x80, s12, s26, $0xb8;
	[tilespmem:$0x1F540] =	vst v63  }
0x77: {  	_ = 	snop  }
0x78: {  	[spmem:s4] =	stream.indirect.scatter.add.f32 [tilespmem:s20], [sflag:$0x9], $0x8, s12, s26, $0xb8;
	[tilespmem:$0x1F540] =	vst v63  }
0x79: {  	_ =	swait.ge [sflag:s22], $0x1400  }
0x7a: {  	[sflag:s22] =	ssyncset.done $0x0  }
0x7b: {  	s12 =	sadd.s32 $0x2828, s10;
	[sflag:s22] =	ssyncadd.s32 $0xFFFFEC00  }
0x7c: {  	[spmem:s3] =	stream.indirect.scatter.add.f32 [tilespmem:s29], [sflag:$0x6], $0x80, s12, s26, $0xb8;
	[tilespmem:$0x1F540] =	vst v63  }
0x7d: {  	_ = 	snop  }
0x7e: {  	[spmem:s4] =	stream.indirect.scatter.add.f32 [tilespmem:s20], [sflag:$0xA], $0x8, s12, s26, $0xb8;
	[tilespmem:$0x1F540] =	vst v63  }
0x7f: {  	_ =	swait.ge [sflag:s16], $0x1400  }
0x80: {  	[sflag:s16] =	ssyncset.done $0x0  }
0x81: {  	s12 =	sadd.s32 $0x2850, s10;
	[sflag:s16] =	ssyncadd.s32 $0xFFFFEC00  }
0x82: {  	[spmem:s3] =	stream.indirect.scatter.add.f32 [tilespmem:s31], [sflag:$0x7], $0x80, s12, s26, $0xb8;
	[tilespmem:$0x1F540] =	vst v63  }
0x83: {  	_ = 	snop  }
0x84: {  	[spmem:s4] =	stream.indirect.scatter.add.f32 [tilespmem:s20], [sflag:$0xB], $0x8, s12, s26, $0xb8;
	[tilespmem:$0x1F540] =	vst v63  }
0x85: {  	_ =	swait.ge [sflag:s30], $0x1400  }
0x86: {  	[sflag:s30] =	ssyncset.done $0x0  }
0x87: {  	s12 =	sadd.s32 $0x2878, s10;
	[sflag:s30] =	ssyncadd.s32 $0xFFFFEC00  }
0x88: {  	[spmem:s3] =	stream.indirect.scatter.add.f32 [tilespmem:s0], [sflag:$0x8], $0x80, s12, s26, $0xb8;
	[tilespmem:$0x1F540] =	vst v63  }
0x89: {  	_ = 	snop  }
0x8a: {  	[spmem:s4] =	stream.indirect.scatter.add.f32 [tilespmem:s20], [sflag:$0xC], $0x8, s12, s26, $0xb8;
	[tilespmem:$0x1F540] =	vst v63  }
0x8b: {  	_ =	swait.ge [sflag:s23], $0x1400  }
0x8c: {  	[sflag:s23] =	ssyncset.done $0x0  }
0x8d: {  	[sflag:s23] =	ssyncadd.s32 $0xFFFFEC00  }
0x8e: {  	_ =	swait.ge [sflag:s25], $0x140  }
0x8f: {  	[sflag:s25] =	ssyncset.done $0x0  }
0x90: {  	s12 =	sadd.s32 $0xA0, s10;
	[sflag:s25] =	ssyncadd.s32 $0xFFFFFEC0  }
0x91: {  	[tilespmem:s28], [sflag:$0x1] =	stream.indirect.gather [hbm4b:s1+s26], $0x80, s12, s26, $0xb8;
	[tilespmem:$0x1F540] =	vst v63  }
0x92: {  	_ =	swait.ge [sflag:s24], $0x1400  }
0x93: {  	[sflag:s24] =	ssyncset.done $0x0  }
0x94: {  	[sflag:s24] =	ssyncadd.s32 $0xFFFFEC00  }
0x95: {  	_ =	swait.ge [sflag:s2], $0x140  }
0x96: {  	[sflag:s2] =	ssyncset.done $0x0  }
0x97: {  	s12 =	sadd.s32 $0xC8, s10;
	[sflag:s2] =	ssyncadd.s32 $0xFFFFFEC0  }
0x98: {  	[tilespmem:s29], [sflag:$0x2] =	stream.indirect.gather [hbm4b:s1+s26], $0x80, s12, s26, $0xb8;
	[tilespmem:$0x1F540] =	vst v63  }
0x99: {  	_ =	swait.ge [sflag:s6], $0x1400  }
0x9a: {  	[sflag:s6] =	ssyncset.done $0x0  }
0x9b: {  	[sflag:s6] =	ssyncadd.s32 $0xFFFFEC00  }
0x9c: {  	_ =	swait.ge [sflag:s7], $0x140  }
0x9d: {  	[sflag:s7] =	ssyncset.done $0x0  }
0x9e: {  	s12 =	sadd.s32 $0xF0, s10;
	[sflag:s7] =	ssyncadd.s32 $0xFFFFFEC0  }
0x9f: {  	[tilespmem:s31], [sflag:$0x3] =	stream.indirect.gather [hbm4b:s1+s26], $0x80, s12, s26, $0xb8;
	[tilespmem:$0x1F540] =	vst v63  }
0xa0: {  	_ =	swait.ge [sflag:s8], $0x1400  }
.Ltmp0:
0xa1: {  	[sflag:s8] =	ssyncset.done $0x0;
	(pc) =	sbr.rel @p0 .LBB2_2-.Ltmp0, $4  }
0xa2: {  	[sflag:s8] =	ssyncadd.s32 $0xFFFFEC00  }
0xa3: {  	_ =	swait.ge [sflag:s9], $0x140  }
0xa4: {  	[sflag:s9] =	ssyncset.done $0x0  }
0xa5: {  	s10 =	sadd.s32 $0x118, s10;
	[sflag:s9] =	ssyncadd.s32 $0xFFFFFEC0  }
0xa6: {  	[tilespmem:s0], [sflag:$0x4] =	stream.indirect.gather [hbm4b:s1+s26], $0x80, s10, s26, $0xb8;
	[tilespmem:$0x1F540] =	vst v63  }
0xa7: {  	_ =	swait.ge [sflag:s21], $0x1400  }
0xa8: {  	[sflag:s21] =	ssyncset.done $0x0  }
0xa9: {  	s18 =	simm.s32 $0x4F60;
	[sflag:s21] =	ssyncadd.s32 $0xFFFFEC00  }
0xaa: {  	[spmem:s3] =	stream.indirect.scatter.add.f32 [tilespmem:s28], [sflag:$0x5], $0x80, s18, s26, $0xb8;
	[tilespmem:$0x1F540] =	vst v63  }
0xab: {  	_ = 	snop  }
0xac: {  	[spmem:s4] =	stream.indirect.scatter.add.f32 [tilespmem:s20], [sflag:$0x9], $0x8, s18, s26, $0xb8;
	[tilespmem:$0x1F540] =	vst v63  }
0xad: {  	_ =	swait.ge [sflag:s22], $0x1400  }
0xae: {  	[sflag:s22] =	ssyncset.done $0x0  }
0xaf: {  	s12 =	simm.s32 $0x4F88;
	[sflag:s22] =	ssyncadd.s32 $0xFFFFEC00  }
0xb0: {  	[spmem:s3] =	stream.indirect.scatter.add.f32 [tilespmem:s29], [sflag:$0x6], $0x80, s12, s26, $0xb8;
	[tilespmem:$0x1F540] =	vst v63  }
0xb1: {  	_ = 	snop  }
0xb2: {  	[spmem:s4] =	stream.indirect.scatter.add.f32 [tilespmem:s20], [sflag:$0xA], $0x8, s12, s26, $0xb8;
	[tilespmem:$0x1F540] =	vst v63  }
0xb3: {  	_ =	swait.ge [sflag:s16], $0x1400  }
0xb4: {  	[sflag:s16] =	ssyncset.done $0x0  }
0xb5: {  	[sflag:s16] =	ssyncadd.s32 $0xFFFFEC00  }
0xb6: {  	[spmem:s3] =	stream.indirect.scatter.add.f32 [tilespmem:s31], [sflag:$0x7], $0x80, s13, s26, $0xb8;
	[tilespmem:$0x1F540] =	vst v63  }
0xb7: {  	_ = 	snop  }
0xb8: {  	[spmem:s4] =	stream.indirect.scatter.add.f32 [tilespmem:s20], [sflag:$0xB], $0x8, s13, s26, $0xb8;
	[tilespmem:$0x1F540] =	vst v63  }
0xb9: {  	_ =	swait.ge [sflag:s30], $0x1400  }
0xba: {  	[sflag:s30] =	ssyncset.done $0x0  }
0xbb: {  	[sflag:s30] =	ssyncadd.s32 $0xFFFFEC00  }
0xbc: {  	[spmem:s3] =	stream.indirect.scatter.add.f32 [tilespmem:s0], [sflag:$0x8], $0x80, s14, s26, $0xb8;
	[tilespmem:$0x1F540] =	vst v63  }
0xbd: {  	_ = 	snop  }
0xbe: {  	[spmem:s4] =	stream.indirect.scatter.add.f32 [tilespmem:s20], [sflag:$0xC], $0x8, s14, s26, $0xb8;
	[tilespmem:$0x1F540] =	vst v63  }
0xbf: {  	_ =	swait.ge [sflag:s23], $0x1400  }
0xc0: {  	[sflag:s23] =	ssyncset.done $0x0  }
0xc1: {  	[sflag:s23] =	ssyncadd.s32 $0xFFFFEC00  }
0xc2: {  	_ =	swait.ge [sflag:s25], $0x140  }
0xc3: {  	[sflag:s25] =	ssyncset.done $0x0  }
0xc4: {  	[sflag:s25] =	ssyncadd.s32 $0xFFFFFEC0  }
0xc5: {  	_ =	swait.ge [sflag:s24], $0x1400  }
0xc6: {  	[sflag:s24] =	ssyncset.done $0x0  }
0xc7: {  	[sflag:s24] =	ssyncadd.s32 $0xFFFFEC00  }
0xc8: {  	_ =	swait.ge [sflag:s2], $0x140  }
0xc9: {  	[sflag:s2] =	ssyncset.done $0x0  }
0xca: {  	[sflag:s2] =	ssyncadd.s32 $0xFFFFFEC0  }
0xcb: {  	_ =	swait.ge [sflag:s6], $0x1400  }
0xcc: {  	[sflag:s6] =	ssyncset.done $0x0  }
0xcd: {  	[sflag:s6] =	ssyncadd.s32 $0xFFFFEC00  }
0xce: {  	_ =	swait.ge [sflag:s7], $0x140  }
0xcf: {  	[sflag:s7] =	ssyncset.done $0x0  }
0xd0: {  	[sflag:s7] =	ssyncadd.s32 $0xFFFFFEC0  }
0xd1: {  	_ =	swait.ge [sflag:s8], $0x1400  }
0xd2: {  	[sflag:s8] =	ssyncset.done $0x0  }
0xd3: {  	[sflag:s8] =	ssyncadd.s32 $0xFFFFEC00  }
0xd4: {  	_ =	swait.ge [sflag:s9], $0x140  }
0xd5: {  	[sflag:s9] =	ssyncset.done $0x0  }
0xd6: {  	[sflag:s9] =	ssyncadd.s32 $0xFFFFFEC0  }
0xd7: {  	[bflag:$0x0] =	sbarrier.arrive $0xFFFF  }
0xd8: {  	s18 =	sor.u32 $0x1C01, s11;
	s12 =	rddreg [dreg:$0xc]  }
0xd9: {  	[hbm:s12], [sflag:s18] =	dma.local [spmem:s17], $0x2800  }
0xda: {  	s18 =	sor.u32 $0x1C02, s11;
	s12 =	rddreg [dreg:$0xd]  }
0xdb: {  	[hbm:s12], [sflag:s18] =	dma.local [spmem:s19], $0x280  }
0xdc: {  	_ =	swait.ge [sflag:s21], $0x2800  }
0xdd: {  	[sflag:s21] =	ssyncset.done $0x0  }
0xde: {  	[sflag:s21] =	ssyncadd.s32 $0xFFFFD800  }
0xdf: {  	_ =	swait.ge [sflag:s22], $0x280  }
0xe0: {  	s15 =	sadd.s32 $0x1, s15;
	s18 =	rddreg [dreg:$0xe]  }
0xe1: {  	p0 =	sne.s32 s15, s18  }
.Ltmp1:
0xe2: {  	_ = 	snop;
	(pc) =	sbr.rel @p0 .LBB2_1-.Ltmp1, $3  }
0xe3: {  	_ =	sdelay $0x1  }
0xe4: {  	[sflag:s22] =	ssyncset.done $0x0  }
0xe5: {  	[sflag:s22] =	ssyncadd.s32 $0xFFFFFD80  }
0xe6: {  	_ =	sfence.sel $0x180000  }
0xe7: {  	[bflag:$0x0] =	sbarrier.arrive $0xFFFF  }
0xe8: {  	_ =	strace $0x90000047  }
0xe9: {  	s0 =	stileid.u32;
	[bflag:$0x2] =	sbarrier.arrive $0xFFFF  }
0xea: {  	p0 =	sne.s32 s0, $0x0;
	s0 =	rddreg [dreg:$0x5]  }
0xeb: {  	s0 =	sadd.s32 @!p0 $0x100000, s0  }
0xec: {  	[sflag:s0] =	ssyncadd.tile.s32 @!p0 $0x1;
	_ =	shalt  }
.Lfunc_end2:
_tile_overlayer_lowered:
.L_overlay_start_2:
0xed: {  	(tag) =	ssettag $0x2  }
0xee: {  	s0 =	rddreg [dreg:$0x0];
	s2 =	stileid.u32  }
0xef: {  	s1 =	rddreg [dreg:$0x1];
	p0 =	sne.s32 s2, $0x0  }
0xf0: {  	s3 =	rddreg [dreg:$0x2];
	[bflag:$0x3] =	sbarrier.arrive $0xFFFF;
	s2 =	simm.s32 @!p0 $0x1C0D  }
0xf1: {  	[timem:s3], [sflag:s2] =	dma.local @!p0 [hbm:s0], s1  }
0xf2: {  	s0 =	simm.s32 @!p0 $0xD  }
0xf3: {  	_ =	swait.ge @!p0 [sflag:s0], s1  }
0xf4: {  	s1 =	ssub.s32 @!p0 $0x0, s1;
	[sflag:s0] =	ssyncset.done @!p0 $0x0  }
0xf5: {  	[sflag:s0] =	ssyncadd.s32 @!p0 s1  }
0xf6: {  	[bflag:$0x3] =	sbarrier.arrive $0xFFFF  }
0xf7: {  	_ =	shalt  }

// kernel: kernel.9.cloned.1.call-start
scs
__scs_entry_jumppad:
0x0: {  	(pc) =	sbr.rel $0x88, $3  }
0x1: {  	(tag) =	ssettag $0x0;
	lr =	simm.s32 $0x1  }
0x2: {  	[smem:$0x3F97] =	sst lr;
	_ =	strace $0xD0000000  }
0x3: {  	_ = 	snop  }
0x4: {  	_ = 	snop  }
0x5: {  	_ = 	snop  }
0x6: {  	_ = 	snop  }
0x7: {  	_ = 	snop  }
__scs_overlays_trampoline_lowered:
0x8: {  	[smem:$0x3FA6] =	sst s0  }
0x9: {  	[smem:$0x3FA7] =	sst s1  }
0xa: {  	[smem:$0x3FA8] =	sst s2  }
0xb: {  	[smem:$0x3FA9] =	sst s3  }
0xc: {  	[smem:$0x3FAA] =	sst s4  }
0xd: {  	[smem:$0x3FAB] =	sst s5  }
0xe: {  	[smem:$0x3FAC] =	sst s6  }
0xf: {  	[smem:$0x3FAD] =	sst s7  }
0x10: {  	[smem:$0x3FAE] =	sst s8  }
0x11: {  	[smem:$0x3FAF] =	sst s9;
	s0 =	simm.s32 @!p0 $0x0  }
0x12: {  	s1 =	sld [smem:$0x3F95];
	s0 =	simm.s32 @p0 $0x1  }
0x13: {  	[smem:$0x3FB0] =	sst s0;
	s0 =	simm.s32 @!p1 $0x0  }
0x14: {  	s2 =	sld [smem:$0x3F94];
	s0 =	simm.s32 @p1 $0x1  }
0x15: {  	[smem:$0x3FB1] =	sst s0;
	s0 =	simm.s32 @!p2 $0x0  }
0x16: {  	s3 =	sld [smem:$0x3FDB];
	s0 =	simm.s32 @p2 $0x1  }
0x17: {  	s4 =	simm.s32 $0x1BF5;
	[smem:$0x3FB3] =	sst s0  }
0x18: {  	s0 =	sld [smem:$0x3F96];
	_ =	swait.ge [sflag:s4], $0x0  }
0x19: {  	s7 =	sld [smem:$0x3F97]  }
0x1a: {  	s8 =	sadd.s32 $0xFFFFE003, lr  }
0x1b: {  	s9 =	sadd.s32 $0xFFFFFEF7, lr;
	s5 =	simm.s32 $0xFFFFFFFF;
	p2 =	slt.u32 s8, $0xFFFFF086  }
0x1c: {  	p1 =	slt.u32 s9, $0xF7A;
	s5 =	simm.s32 @!p2 $0x0  }
0x1d: {  	s5 =	simm.s32 @p1 $0x1;
	p0 =	seq.s32 s7, s2  }
0x1e: {  	s7 =	smul.u32 @!p0 $0xF7A, s2;
	p2 =	seq.s32 @!p0 s5, $0x0  }
0x1f: {  	s9 =	smul.u32 $0xF7A, s1;
	s8 =	simm.s32 @!p0 $0x1BF5;
	p2 =	por !p2, p0  }
0x20: {  	[sflag:s8] =	ssyncset.s32 @!p0 $0xFFFFF086;
	s6 =	sadd.s32 @!p0 s3, s7;
	s7 =	simm.s32 @!p0 $0x108  }
0x21: {  	s3 =	sadd.s32 s3, s9;
	s6 =	sadd.s32 @!p0 $0x88, s6;
	s7 =	simm.s32 @p2 $0x1082  }
0x22: {  	[simem:s7], [sflag:s8] =	dma.local @!p0 [hbm:s6], $0xF7A  }
0x23: {  	s9 =	sor.u32 $0xD0000000, s2;
	s6 =	simm.s32 $0x108;
	_ =	swait.ge @!p0 [sflag:s8], $0x0  }
0x24: {  	s3 =	sadd.s32 $0x88, s3;
	s6 =	simm.s32 @!p1 $0x1082;
	[sflag:s4] =	ssyncset.s32 $0xFFFFF086  }
0x25: {  	[simem:s6], [sflag:s4] =	dma.local [hbm:s3], $0xF7A  }
0x26: {  	[smem:$0x3F97] =	sst s1;
	(tag) =	ssettag s2;
	_ =	strace s9  }
0x27: {  	s1 =	sld [smem:$0x3FA7]  }
0x28: {  	s2 =	sld [smem:$0x3FA8]  }
0x29: {  	s4 =	sld [smem:$0x3FAA]  }
0x2a: {  	p0 =	seq.s32 s5, $0x0;
	s5 =	sld [smem:$0x3FAB]  }
0x2b: {  	s6 =	sld [smem:$0x3FAC]  }
0x2c: {  	s7 =	sld [smem:$0x3FAD]  }
0x2d: {  	s3 =	simm.s32 $0x108;
	s8 =	sld [smem:$0x3FAE]  }
0x2e: {  	s3 =	simm.s32 @!p0 $0x1082;
	s9 =	sld [smem:$0x3FAF]  }
0x2f: {  	lr =	sadd.s32 s0, s3;
	s0 =	sld [smem:$0x3FA6]  }
0x30: {  	s3 =	sld [smem:$0x3FA9]  }
0x31: {  	[smem:$0x3FB2] =	sst s10  }
0x32: {  	s10 =	sld [smem:$0x3FB0];
	_ =	sdelay $0x3  }
0x33: {  	p0 =	seq.s32 s10, $0x1;
	s10 =	sld [smem:$0x3FB2];
	_ =	sdelay $0x3  }
0x34: {  	[smem:$0x3FB2] =	sst s10  }
0x35: {  	s10 =	sld [smem:$0x3FB1];
	_ =	sdelay $0x3  }
0x36: {  	p1 =	seq.s32 s10, $0x1;
	s10 =	sld [smem:$0x3FB2];
	_ =	sdelay $0x3  }
0x37: {  	[smem:$0x3FB2] =	sst s10  }
0x38: {  	s10 =	sld [smem:$0x3FB3]  }
0x39: {  	_ = 	snop;
	(pc) =	sbr.ind lr, $3  }
0x3a: {  	_ = 	snop  }
0x3b: {  	_ = 	snop  }
0x3c: {  	p2 =	seq.s32 s10, $0x1;
	s10 =	sld [smem:$0x3FB2]  }
0x3d: {  	_ =	shalt  }
0x3e: {  	_ =	shalt  }
0x3f: {  	_ =	shalt  }
0x40: {  	_ =	shalt  }
0x41: {  	_ =	shalt  }
0x42: {  	_ =	shalt  }
0x43: {  	_ =	shalt  }
0x44: {  	_ =	shalt  }
0x45: {  	_ =	shalt  }
0x46: {  	_ =	shalt  }
0x47: {  	_ =	shalt  }
0x48: {  	_ =	shalt  }
0x49: {  	_ =	shalt  }
0x4a: {  	_ =	shalt  }
0x4b: {  	_ =	shalt  }
0x4c: {  	_ =	shalt  }
0x4d: {  	_ =	shalt  }
0x4e: {  	_ =	shalt  }
0x4f: {  	_ =	shalt  }
0x50: {  	_ =	shalt  }
0x51: {  	_ =	shalt  }
0x52: {  	_ =	shalt  }
0x53: {  	_ =	shalt  }
0x54: {  	_ =	shalt  }
0x55: {  	_ =	shalt  }
0x56: {  	_ =	shalt  }
0x57: {  	_ =	shalt  }
0x58: {  	_ =	shalt  }
0x59: {  	_ =	shalt  }
0x5a: {  	_ =	shalt  }
0x5b: {  	_ =	shalt  }
0x5c: {  	_ =	shalt  }
0x5d: {  	_ =	shalt  }
0x5e: {  	_ =	shalt  }
0x5f: {  	_ =	shalt  }
0x60: {  	_ =	shalt  }
0x61: {  	_ =	shalt  }
0x62: {  	_ =	shalt  }
0x63: {  	_ =	shalt  }
0x64: {  	_ =	shalt  }
0x65: {  	_ =	shalt  }
0x66: {  	_ =	shalt  }
0x67: {  	_ =	shalt  }
0x68: {  	_ =	shalt  }
0x69: {  	_ =	shalt  }
0x6a: {  	_ =	shalt  }
0x6b: {  	_ =	shalt  }
0x6c: {  	_ =	shalt  }
0x6d: {  	_ =	shalt  }
0x6e: {  	_ =	shalt  }
0x6f: {  	_ =	shalt  }
0x70: {  	_ =	shalt  }
0x71: {  	_ =	shalt  }
0x72: {  	_ =	shalt  }
0x73: {  	_ =	shalt  }
0x74: {  	_ =	shalt  }
0x75: {  	_ =	shalt  }
0x76: {  	_ =	shalt  }
0x77: {  	_ =	shalt  }
0x78: {  	_ =	shalt  }
0x79: {  	_ =	shalt  }
0x7a: {  	_ =	shalt  }
0x7b: {  	_ =	shalt  }
0x7c: {  	_ =	shalt  }
0x7d: {  	_ =	shalt  }
0x7e: {  	_ =	shalt  }
0x7f: {  	_ =	shalt  }
0x80: {  	_ =	shalt  }
0x81: {  	_ =	shalt  }
0x82: {  	_ =	shalt  }
0x83: {  	_ =	shalt  }
0x84: {  	_ =	shalt  }
0x85: {  	_ =	shalt  }
0x86: {  	_ =	shalt  }
0x87: {  	_ =	shalt  }
.Lfunc_end0:
.L_simem_size_0:
called_computation.1_lowered:
.L_overlay_start_0:
0x88: {  	s2 =	sld [smem:$0x3FD9]  }
0x89: {  	s3 =	sld [smem:$0x3FFE];
	_ =	sdelay $0x1  }
0x8a: {  	s1 =	srdreg.scid  }
0x8b: {  	s0 =	sand.u32 $0x1, s1  }
0x8c: {  	s17 =	sshll.u32 s0, $0xA;
	s2 =	sadd.s32 s3, s2  }
0x8d: {  	s2 =	sadd.s32 s2, s17  }
0x8e: {  	[smem:$0x3FBE] =	sst s2  }
0x8f: {  	_ = 	snop  }
0x90: {  	s2 =	sld [smem:$0x3FD0];
	(tm) =	ssettm $0x1  }
0x91: {  	s18 =	sld [smem:$0x3FFB];
	_ =	sdelay $0x3  }
0x92: {  	_ =	strace s18  }
0x93: {  	s3 =	sld [smem:$0x3FFC];
	_ =	sdelay $0x3  }
0x94: {  	_ =	strace s3  }
0x95: {  	s3 =	sld [smem:$0x3FFD];
	_ =	sdelay $0x3  }
0x96: {  	_ =	strace s3  }
0x97: {  	_ =	strace $0x8FFFFFFF  }
0x98: {  	s19 =	sld [smem:$0x3FDB];
	_ =	sdelay $0x1  }
0x99: {  	s4 =	simm.s32 $_scs_section_size  }
0x9a: {  	s5 =	simm.s32 $_size__tile_overlayer_lowered;
	s6 =	simm.s32 $_tile_overlayer_lowered  }
0x9b: {  	s22 =	simm.s32 $0x1BFF;
	s21 =	sshll.u32 s6, $0x1;
	s3 =	sadd.s32 s4, s19  }
0x9c: {  	s7 =	simm.s32 $0x0;
	s20 =	sshll.u32 s5, $0x1;
	s5 =	sadd.s32 s21, s3  }
0x9d: {  	[timem:s7], [sflag:s22] =	dma.local [hbm:s5], s20  }
0x9e: {  	_ =	swait.ge [sflag:s22], s20  }
0x9f: {  	s4 =	ssub.s32 $0x0, s20;
	[sflag:s22] =	ssyncset.done $0x0  }
0xa0: {  	[sflag:s22] =	ssyncadd.s32 s4;
	_ =	sdelay $0x1  }
0xa1: {  	s23 =	simm.s32 $0x1B8B  }
0xa2: {  	_ =	swait.ge [sflag:s23], $0x1  }
0xa3: {  	[sflag:s23] =	ssyncset.done $0x0  }
0xa4: {  	s25 =	simm.s32 $0x1B8E;
	s24 =	sld [smem:$0x3FFE];
	[sflag:s23] =	ssyncadd.s32 $0xFFFFFFFF  }
0xa5: {  	s26 =	simm.s32 $execute0_lowered;
	[smem:$0x3FD2] =	sst s25  }
0xa6: {  	s5 =	sshll.u32 s26, $0x1;
	_ =	strace $0x80000049;
	[dreg:$0x1] =	wrdreg $0xFFFFFFFF  }
0xa7: {  	s28 =	simm.s32 $_size_execute0_lowered;
	s3 =	sadd.s32 s3, s5;
	[dreg:$0x0] =	wrdreg $0x0  }
0xa8: {  	s5 =	sshll.u32 s28, $0x1;
	[dreg:$0x2] =	wrdreg s3  }
0xa9: {  	[dreg:$0x3] =	wrdreg s5  }
0xaa: {  	[dreg:$0x4] =	wrdreg $0xC0  }
0xab: {  	_ =	task [dreg:s7], $0x5FFFF  }
0xac: {  	[dreg:$0x1] =	wrdreg $0xFFFFFFFF  }
0xad: {  	[dreg:$0x0] =	wrdreg $0x60  }
0xae: {  	[dreg:$0x2] =	wrdreg s24  }
0xaf: {  	[dreg:$0x3] =	wrdreg s2  }
0xb0: {  	[dreg:$0x4] =	wrdreg $0xA0000  }
0xb1: {  	[dreg:$0x5] =	wrdreg $0x9  }
0xb2: {  	_ =	task.clear_ibuf [dreg:s7], $0x6FFFF;
	_ =	strace $0x90000049  }
0xb3: {  	s29 =	simm.s32 $0x9;
	_ =	strace $0x8000004B  }
0xb4: {  	_ =	swait.ge [sflag:s29], $0x1  }
0xb5: {  	[sflag:s29] =	ssyncadd.s32 $0xFFFFFFFF  }
0xb6: {  	_ =	strace $0x9000004B  }
0xb7: {  	_ =	sfence  }
0xb8: {  	s30 =	sld [smem:$0x0];
	_ =	sdelay $0x2  }
0xb9: {  	s31 =	sshll.u32 s1, $0xD;
	s1 =	sshrl.u32 s1, $0x2  }
0xba: {  	s3 =	sand.u32 $0x4000, s31;
	s1 =	sadd.s32 s1, s30  }
0xbb: {  	s0 =	sor.u32 s3, s0;
	s1 =	sshll.u32 s1, $0x11  }
0xbc: {  	s0 =	sor.u32 s1, s0  }
0xbd: {  	s0 =	sadd.s32 $0x8F2B, s0  }
0xbe: {  	[sflag:s0] =	ssyncadd.remote.s32 $0x1  }
0xbf: {  	_ =	sfence.sel $0xFFFF  }
0xc0: {  	[dreg:$0x0] =	wrdreg $0xFFFFFFFF;
	(pc) =	sbr.abs _section_cstart, $3  }
0xc1: {  	[dreg:$0x1] =	wrdreg $0xFFFFFFFF  }
0xc2: {  	_ =	task.clear_ibuf [dreg:s7], $0x2FFFF;
	_ =	strace $0x9FFFFFFF  }
0xc3: {  	(tm) =	ssettm $0x7FFFFFFF  }
tec
execute0_lowered:
.L_overlay_start_1:
0x0: {  	(tag) =	ssettag $0x1  }
0x1: {  	s1 =	rddreg [dreg:$0x0]  }
0x2: {  	s0 =	srdreg.scid;
	s6 =	rddreg [dreg:$0x1]  }
0x3: {  	s12 =	stileid.u32;
	s2 =	rddreg [dreg:$0x2]  }
0x4: {  	s14 =	simm.s32 $0x1;
	s15 =	simm.s32 $0x2;
	s16 =	simm.s32 $0x5  }
0x5: {  	s17 =	simm.s32 $0x28;
	s18 =	simm.s32 $0x5000;
	s19 =	simm.s32 $0x6400  }
0x6: {  	s21 =	simm.s32 $0x7800;
	s23 =	simm.s32 $0x8C00;
	s24 =	simm.s32 $0x3  }
0x7: {  	s25 =	simm.s32 $0x4;
	s28 =	simm.s32 $0x7;
	s29 =	simm.s32 $0x8  }
0x8: {  	s31 =	simm.s32 $0x4F88;
	s0 =	sand.u32 $0x1, s0;
	s5 =	smul.u32 $0x2800, s12  }
0x9: {  	s4 =	sshll.u32 s12, $0x8;
	s11 =	smul.u32 $0x50000, s12;
	s3 =	sshll.u32 s0, $0xC  }
0xa: {  	s8 =	smul.u32 $0x28000, s0;
	s0 =	ssub.s32 $0x2, s0;
	s4 =	sor.u32 s4, s3  }
0xb: {  	s3 =	simm.s32 $0x0;
	s10 =	sshrl.u32 s0, $0x1;
	s26 =	sshrl.u32 s11, $0x2  }
0xc: {  	s7 =	smul.u32 $0x5, s4;
	[smem:$0x7FF] =	sst s3;
	s4 =	sadd.s32 $0xF200, s1  }
0xd: {  	s8 =	sadd.s32 s5, s8;
	s5 =	sadd.s32 $0xCA00, s1;
	s0 =	ssub.s32 s0, s10  }
0xe: {  	s30 =	sadd.s32 s26, s2;
	s26 =	simm.s32 $0x6;
	_ =	strace $0x8000004A  }
0xf: {  	s11 =	smax.u32 s0, $0x1;
	s13 =	sshrl.u32 s30, $0x3;
	s0 =	simm.s32 $0x4FD8  }
0x10: {  	s9 =	sadd.s32 s7, s1;
	s1 =	sadd.s32 s8, s1;
	s6 =	sadd.s32 s6, s7  }
0x11: {  	s7 =	sshll.u32 s12, $0x6;
	s12 =	simm.s32 $0x0;
	s8 =	sadd.s32 $0x2A00, s9  }
0x12: {  	s9 =	sor.u32 $0x1C05, s7;
	s10 =	sadd.s32 $0xB2C00, s1;
	s1 =	simm.s32 $0x4FB0  }
.LBB2_1:
0x13: {  	[tilespmem:s3], [sflag:$0x1] =	stream.linear.gather [hbm4b:s6+s3], $0x2800, $0x38;
	[tilespmem:$0x1E000] =	vst v63  }
0x14: {  	s20 =	simm.s32 $0x2800  }
0x15: {  	[tilespmem:s20], [sflag:$0x2] =	stream.linear.gather [hbm4b:s8+s3], $0x2800, $0x38;
	[tilespmem:$0x1E000] =	vst v63  }
0x16: {  	[spmem:s13], [sflag:s9] =	dma.local [hbm:s5], $0x2800  }
0x17: {  	_ =	swait.ge [sflag:s14], $0x2800  }
0x18: {  	[sflag:s14] =	ssyncset.done $0x0  }
0x19: {  	[sflag:s14] =	ssyncadd.s32 $0xFFFFD800  }
0x1a: {  	_ =	swait.ge [sflag:s15], $0x2800  }
0x1b: {  	[sflag:s15] =	ssyncset.done $0x0  }
0x1c: {  	[sflag:s15] =	ssyncadd.s32 $0xFFFFD800  }
0x1d: {  	_ =	swait.ge [sflag:s16], $0x2800  }
0x1e: {  	[sflag:s16] =	ssyncset.done $0x0  }
0x1f: {  	[sflag:s16] =	ssyncadd.s32 $0xFFFFD800  }
0x20: {  	[bflag:$0x0] =	sbarrier.arrive $0xFFFF  }
0x21: {  	[tilespmem:s18], [sflag:$0x1] =	stream.indirect.gather [hbm4b:s4+s17], $0x80, s3, s17, $0xb8;
	[tilespmem:$0x1E000] =	vst v63  }
0x22: {  	_ = 	snop  }
0x23: {  	[tilespmem:s19], [sflag:$0x2] =	stream.indirect.gather [hbm4b:s4+s17], $0x80, s17, s17, $0xb8;
	[tilespmem:$0x1E000] =	vst v63  }
0x24: {  	s30 =	simm.s32 $0x50  }
0x25: {  	[tilespmem:s21], [sflag:$0x3] =	stream.indirect.gather [hbm4b:s4+s17], $0x80, s30, s17, $0xb8;
	[tilespmem:$0x1E000] =	vst v63  }
0x26: {  	s22 =	simm.s32 $0x78  }
0x27: {  	[tilespmem:s23], [sflag:$0x4] =	stream.indirect.gather [hbm4b:s4+s17], $0x80, s22, s17, $0xb8;
	[tilespmem:$0x1E000] =	vst v63  }
0x28: {  	_ =	swait.ge [sflag:s14], $0x1400  }
0x29: {  	[sflag:s14] =	ssyncset.done $0x0  }
0x2a: {  	s30 =	simm.s32 $0x2800;
	[sflag:s14] =	ssyncadd.s32 $0xFFFFEC00  }
0x2b: {  	[spmem:s2] =	stream.indirect.scatter.add.f32 [tilespmem:s18], [sflag:$0x5], $0x80, s30, s17, $0xb8;
	[tilespmem:$0x1E000] =	vst v63  }
0x2c: {  	_ =	swait.ge [sflag:s15], $0x1400  }
0x2d: {  	[sflag:s15] =	ssyncset.done $0x0  }
0x2e: {  	s22 =	simm.s32 $0x2828;
	[sflag:s15] =	ssyncadd.s32 $0xFFFFEC00  }
0x2f: {  	[spmem:s2] =	stream.indirect.scatter.add.f32 [tilespmem:s19], [sflag:$0x6], $0x80, s22, s17, $0xb8;
	[tilespmem:$0x1E000] =	vst v63  }
0x30: {  	_ =	swait.ge [sflag:s24], $0x1400  }
0x31: {  	[sflag:s24] =	ssyncset.done $0x0  }
0x32: {  	s30 =	simm.s32 $0x2850;
	[sflag:s24] =	ssyncadd.s32 $0xFFFFEC00  }
0x33: {  	[spmem:s2] =	stream.indirect.scatter.add.f32 [tilespmem:s21], [sflag:$0x7], $0x80, s30, s17, $0xb8;
	[tilespmem:$0x1E000] =	vst v63  }
0x34: {  	_ =	swait.ge [sflag:s25], $0x1400  }
0x35: {  	[sflag:s25] =	ssyncset.done $0x0  }
0x36: {  	s22 =	simm.s32 $0x2878;
	[sflag:s25] =	ssyncadd.s32 $0xFFFFEC00  }
0x37: {  	[spmem:s2] =	stream.indirect.scatter.add.f32 [tilespmem:s23], [sflag:$0x8], $0x80, s22, s17, $0xb8;
	[tilespmem:$0x1E000] =	vst v63  }
0x38: {  	_ =	swait.ge [sflag:s16], $0x1400  }
0x39: {  	[sflag:s16] =	ssyncset.done $0x0  }
0x3a: {  	s30 =	simm.s32 $0xA0;
	[sflag:s16] =	ssyncadd.s32 $0xFFFFEC00  }
0x3b: {  	[tilespmem:s18], [sflag:$0x1] =	stream.indirect.gather [hbm4b:s4+s17], $0x80, s30, s17, $0xb8;
	[tilespmem:$0x1E000] =	vst v63  }
0x3c: {  	_ =	swait.ge [sflag:s26], $0x1400  }
0x3d: {  	[sflag:s26] =	ssyncset.done $0x0  }
0x3e: {  	s22 =	simm.s32 $0xC8;
	[sflag:s26] =	ssyncadd.s32 $0xFFFFEC00  }
0x3f: {  	[tilespmem:s19], [sflag:$0x2] =	stream.indirect.gather [hbm4b:s4+s17], $0x80, s22, s17, $0xb8;
	[tilespmem:$0x1E000] =	vst v63  }
0x40: {  	_ =	swait.ge [sflag:s28], $0x1400  }
0x41: {  	[sflag:s28] =	ssyncset.done $0x0  }
0x42: {  	s30 =	simm.s32 $0xF0;
	[sflag:s28] =	ssyncadd.s32 $0xFFFFEC00  }
0x43: {  	[tilespmem:s21], [sflag:$0x3] =	stream.indirect.gather [hbm4b:s4+s17], $0x80, s30, s17, $0xb8;
	[tilespmem:$0x1E000] =	vst v63  }
0x44: {  	_ =	swait.ge [sflag:s29], $0x1400  }
0x45: {  	[sflag:s29] =	ssyncset.done $0x0  }
0x46: {  	s20 =	simm.s32 $0x280;
	s22 =	simm.s32 $0x118;
	[sflag:s29] =	ssyncadd.s32 $0xFFFFEC00  }
.LBB2_2:
0x47: {  	[tilespmem:s23], [sflag:$0x4] =	stream.indirect.gather [hbm4b:s4+s17], $0x80, s22, s17, $0xb8;
	[tilespmem:$0x1E000] =	vst v63  }
0x48: {  	s22 =	smov.u32 s20  }
0x49: {  	p0 =	sne.s32 s20, $0x9B00;
	s20 =	sadd.s32 $0x280, s20;
	_ =	swait.ge [sflag:s14], $0x1400  }
0x4a: {  	s22 =	sshra.s32 s22, $0x2;
	[sflag:s14] =	ssyncset.done $0x0  }
0x4b: {  	s30 =	sadd.s32 $0x2800, s22;
	[sflag:s14] =	ssyncadd.s32 $0xFFFFEC00  }
0x4c: {  	[spmem:s2] =	stream.indirect.scatter.add.f32 [tilespmem:s18], [sflag:$0x5], $0x80, s30, s17, $0xb8;
	[tilespmem:$0x1E000] =	vst v63  }
0x4d: {  	_ =	swait.ge [sflag:s15], $0x1400  }
0x4e: {  	[sflag:s15] =	ssyncset.done $0x0  }
0x4f: {  	s30 =	sadd.s32 $0x2828, s22;
	[sflag:s15] =	ssyncadd.s32 $0xFFFFEC00  }
0x50: {  	[spmem:s2] =	stream.indirect.scatter.add.f32 [tilespmem:s19], [sflag:$0x6], $0x80, s30, s17, $0xb8;
	[tilespmem:$0x1E000] =	vst v63  }
0x51: {  	_ =	swait.ge [sflag:s24], $0x1400  }
0x52: {  	[sflag:s24] =	ssyncset.done $0x0  }
0x53: {  	s30 =	sadd.s32 $0x2850, s22;
	[sflag:s24] =	ssyncadd.s32 $0xFFFFEC00  }
0x54: {  	[spmem:s2] =	stream.indirect.scatter.add.f32 [tilespmem:s21], [sflag:$0x7], $0x80, s30, s17, $0xb8;
	[tilespmem:$0x1E000] =	vst v63  }
0x55: {  	_ =	swait.ge [sflag:s25], $0x1400  }
0x56: {  	[sflag:s25] =	ssyncset.done $0x0  }
0x57: {  	s30 =	sadd.s32 $0x2878, s22;
	[sflag:s25] =	ssyncadd.s32 $0xFFFFEC00  }
0x58: {  	[spmem:s2] =	stream.indirect.scatter.add.f32 [tilespmem:s23], [sflag:$0x8], $0x80, s30, s17, $0xb8;
	[tilespmem:$0x1E000] =	vst v63  }
0x59: {  	_ =	swait.ge [sflag:s16], $0x1400  }
0x5a: {  	[sflag:s16] =	ssyncset.done $0x0  }
0x5b: {  	s30 =	sadd.s32 $0xA0, s22;
	[sflag:s16] =	ssyncadd.s32 $0xFFFFEC00  }
0x5c: {  	[tilespmem:s18], [sflag:$0x1] =	stream.indirect.gather [hbm4b:s4+s17], $0x80, s30, s17, $0xb8;
	[tilespmem:$0x1E000] =	vst v63  }
0x5d: {  	_ =	swait.ge [sflag:s26], $0x1400  }
0x5e: {  	[sflag:s26] =	ssyncset.done $0x0  }
0x5f: {  	s30 =	sadd.s32 $0xC8, s22;
	[sflag:s26] =	ssyncadd.s32 $0xFFFFEC00  }
0x60: {  	[tilespmem:s19], [sflag:$0x2] =	stream.indirect.gather [hbm4b:s4+s17], $0x80, s30, s17, $0xb8;
	[tilespmem:$0x1E000] =	vst v63  }
0x61: {  	_ =	swait.ge [sflag:s28], $0x1400  }
0x62: {  	[sflag:s28] =	ssyncset.done $0x0  }
.Ltmp0:
0x63: {  	s30 =	sadd.s32 $0xF0, s22;
	[sflag:s28] =	ssyncadd.s32 $0xFFFFEC00;
	(pc) =	sbr.rel @p0 .LBB2_2-.Ltmp0, $4  }
0x64: {  	[tilespmem:s21], [sflag:$0x3] =	stream.indirect.gather [hbm4b:s4+s17], $0x80, s30, s17, $0xb8;
	[tilespmem:$0x1E000] =	vst v63  }
0x65: {  	_ =	swait.ge [sflag:s29], $0x1400  }
0x66: {  	[sflag:s29] =	ssyncset.done $0x0  }
0x67: {  	s22 =	sadd.s32 $0x118, s22;
	[sflag:s29] =	ssyncadd.s32 $0xFFFFEC00  }
0x68: {  	[tilespmem:s23], [sflag:$0x4] =	stream.indirect.gather [hbm4b:s4+s17], $0x80, s22, s17, $0xb8;
	[tilespmem:$0x1E000] =	vst v63  }
0x69: {  	_ =	swait.ge [sflag:s14], $0x1400  }
0x6a: {  	[sflag:s14] =	ssyncset.done $0x0  }
0x6b: {  	s20 =	simm.s32 $0x4F60;
	[sflag:s14] =	ssyncadd.s32 $0xFFFFEC00  }
0x6c: {  	[spmem:s2] =	stream.indirect.scatter.add.f32 [tilespmem:s18], [sflag:$0x5], $0x80, s20, s17, $0xb8;
	[tilespmem:$0x1E000] =	vst v63  }
0x6d: {  	_ =	swait.ge [sflag:s15], $0x1400  }
0x6e: {  	[sflag:s15] =	ssyncset.done $0x0  }
0x6f: {  	[sflag:s15] =	ssyncadd.s32 $0xFFFFEC00  }
0x70: {  	[spmem:s2] =	stream.indirect.scatter.add.f32 [tilespmem:s19], [sflag:$0x6], $0x80, s31, s17, $0xb8;
	[tilespmem:$0x1E000] =	vst v63  }
0x71: {  	_ =	swait.ge [sflag:s24], $0x1400  }
0x72: {  	[sflag:s24] =	ssyncset.done $0x0  }
0x73: {  	[sflag:s24] =	ssyncadd.s32 $0xFFFFEC00  }
0x74: {  	[spmem:s2] =	stream.indirect.scatter.add.f32 [tilespmem:s21], [sflag:$0x7], $0x80, s1, s17, $0xb8;
	[tilespmem:$0x1E000] =	vst v63  }
0x75: {  	_ =	swait.ge [sflag:s25], $0x1400  }
0x76: {  	[sflag:s25] =	ssyncset.done $0x0  }
0x77: {  	[sflag:s25] =	ssyncadd.s32 $0xFFFFEC00  }
0x78: {  	[spmem:s2] =	stream.indirect.scatter.add.f32 [tilespmem:s23], [sflag:$0x8], $0x80, s0, s17, $0xb8;
	[tilespmem:$0x1E000] =	vst v63  }
0x79: {  	_ =	swait.ge [sflag:s16], $0x1400  }
0x7a: {  	[sflag:s16] =	ssyncset.done $0x0  }
0x7b: {  	[sflag:s16] =	ssyncadd.s32 $0xFFFFEC00  }
0x7c: {  	_ =	swait.ge [sflag:s26], $0x1400  }
0x7d: {  	[sflag:s26] =	ssyncset.done $0x0  }
0x7e: {  	[sflag:s26] =	ssyncadd.s32 $0xFFFFEC00  }
0x7f: {  	_ =	swait.ge [sflag:s28], $0x1400  }
0x80: {  	[sflag:s28] =	ssyncset.done $0x0  }
0x81: {  	[sflag:s28] =	ssyncadd.s32 $0xFFFFEC00  }
0x82: {  	_ =	swait.ge [sflag:s29], $0x1400  }
0x83: {  	s12 =	sadd.s32 $0x1, s12;
	[sflag:s29] =	ssyncset.done $0x0  }
0x84: {  	p0 =	sne.s32 s12, s11;
	[sflag:s29] =	ssyncadd.s32 $0xFFFFEC00  }
.Ltmp1:
0x85: {  	s30 =	sor.u32 $0x1C01, s7;
	[bflag:$0x0] =	sbarrier.arrive $0xFFFF;
	(pc) =	sbr.rel @p0 .LBB2_1-.Ltmp1, $4  }
0x86: {  	[hbm:s10], [sflag:s30] =	dma.local [spmem:s13], $0x2800  }
0x87: {  	_ =	swait.ge [sflag:s14], $0x2800  }
0x88: {  	[sflag:s14] =	ssyncset.done $0x0  }
0x89: {  	[sflag:s14] =	ssyncadd.s32 $0xFFFFD800  }
0x8a: {  	_ =	sfence.sel $0x180000  }
0x8b: {  	[bflag:$0x0] =	sbarrier.arrive $0xFFFF  }
0x8c: {  	_ =	strace $0x9000004A  }
0x8d: {  	s0 =	stileid.u32;
	[bflag:$0x2] =	sbarrier.arrive $0xFFFF  }
0x8e: {  	p0 =	sne.s32 s0, $0x0;
	s0 =	rddreg [dreg:$0x3]  }
0x8f: {  	s0 =	sadd.s32 @!p0 $0x100000, s0  }
0x90: {  	[sflag:s0] =	ssyncadd.tile.s32 @!p0 $0x1;
	_ =	shalt  }
.Lfunc_end2:
_tile_overlayer_lowered:
.L_overlay_start_2:
0x91: {  	(tag) =	ssettag $0x2  }
0x92: {  	s0 =	rddreg [dreg:$0x0];
	s2 =	stileid.u32  }
0x93: {  	s1 =	rddreg [dreg:$0x1];
	p0 =	sne.s32 s2, $0x0  }
0x94: {  	s3 =	rddreg [dreg:$0x2];
	[bflag:$0x3] =	sbarrier.arrive $0xFFFF;
	s2 =	simm.s32 @!p0 $0x1C09  }
0x95: {  	[timem:s3], [sflag:s2] =	dma.local @!p0 [hbm:s0], s1  }
0x96: {  	s0 =	simm.s32 @!p0 $0x9  }
0x97: {  	_ =	swait.ge @!p0 [sflag:s0], s1  }
0x98: {  	s1 =	ssub.s32 @!p0 $0x0, s1;
	[sflag:s0] =	ssyncset.done @!p0 $0x0  }
0x99: {  	[sflag:s0] =	ssyncadd.s32 @!p0 s1  }
0x9a: {  	[bflag:$0x3] =	sbarrier.arrive $0xFFFF  }
0x9b: {  	_ =	shalt  }

</sc_bundles>
